<compile_context>
chip_gen: v7x
topology: tpu7x:2x2x1
jax: 0.10.2.dev20260603
libtpu: 0.0.44.dev20260713+nightly
codegen_flags: <defaults>
</compile_context>

<pallas_src>
import jax
import jax.numpy as jnp
from jax import lax
from jax.experimental import pallas as pl
from jax.experimental.pallas import tpu as pltpu
from jax.experimental.pallas import tpu_sc as plsc

N_NODES = 100000
D_FEAT = 128
NUM_TYPES = 64
CHUNK = 256
NBUF = 3
NMAIN = 12
BIG = NMAIN * CHUNK + 56
SMALL = NMAIN * CHUNK + 48
NBIG = 20
TAIL_B = 56
TAIL_S = 48

_INFO = plsc.get_sparse_core_info()
_NC = _INFO.num_cores
_NS = _INFO.num_subcores
_NW = _NC * _NS


def _sc_body(x_hbm, idx_hbm, tab_hbm, out_hbm, *scratch):
    tab_v = scratch[0]
    idx_all = scratch[1]
    x_v = scratch[2:2 + NBUF]
    sem_x = scratch[2 + NBUF:2 + 2 * NBUF]
    sem_o = scratch[2 + 2 * NBUF:2 + 3 * NBUF]

    wid = lax.axis_index("s") * _NC + lax.axis_index("c")
    span = wid * SMALL + jnp.minimum(wid, NBIG) * (TAIL_B - TAIL_S)

    @pl.when(lax.axis_index("s") == 0)
    def _():
        pltpu.sync_copy(tab_hbm, tab_v)
    plsc.subcore_barrier()

    @pl.when(wid < NBIG)
    def _():
        pltpu.sync_copy(idx_hbm.at[pl.ds(span, BIG)],
                        idx_all.at[pl.ds(0, BIG)])

    @pl.when(wid >= NBIG)
    def _():
        pltpu.sync_copy(idx_hbm.at[pl.ds(span, SMALL)],
                        idx_all.at[pl.ds(0, SMALL)])

    def load(k, b):
        base = span + k * CHUNK
        pltpu.async_copy(x_hbm.at[pl.ds(base, CHUNK), :], x_v[b], sem_x[b])

    def wait_loads(b):
        pltpu.make_async_copy(x_hbm.at[pl.ds(0, CHUNK), :], x_v[b],
                              sem_x[b]).wait()

    def add_rows(b, k):
        for h in range(CHUNK // 128):
            pltpu.sync_copy(
                tab_v.at[idx_all.at[pl.ds(k * CHUNK + h * 128, 128)]],
                x_v[b].at[pl.ds(h * 128, 128), :], add=True)

    def store(k, b):
        base = span + k * CHUNK
        pltpu.async_copy(x_v[b], out_hbm.at[pl.ds(base, CHUNK), :], sem_o[b])

    def wait_store(b):
        pltpu.make_async_copy(x_v[b], out_hbm.at[pl.ds(0, CHUNK), :],
                              sem_o[b]).wait()

    load(0, 0)

    def turn(j, carry):
        for b in range(NBUF):
            k = j * NBUF + b
            bn = (b + 1) % NBUF
            @pl.when(k + 1 < NMAIN)
            def _():
                @pl.when(k >= NBUF - 1)
                def _():
                    wait_store(bn)
                load(k + 1, bn)
            wait_loads(b)
            add_rows(b, k)
            store(k, b)
        return carry

    lax.fori_loop(0, NMAIN // NBUF, turn, 0, unroll=False)

    wait_store(0)
    tail_base = span + NMAIN * CHUNK

    @pl.when(wid < NBIG)
    def _():
        pltpu.async_copy(x_hbm.at[pl.ds(tail_base, TAIL_B), :],
                         x_v[0].at[pl.ds(0, TAIL_B), :], sem_x[0])

    @pl.when(wid >= NBIG)
    def _():
        pltpu.async_copy(x_hbm.at[pl.ds(tail_base, TAIL_S), :],
                         x_v[0].at[pl.ds(0, TAIL_S), :], sem_x[0])

    for b in range(1, NBUF):
        wait_store(b)

    def do_tail(nrows):
        base = span + NMAIN * CHUNK
        pltpu.make_async_copy(x_hbm.at[pl.ds(0, nrows), :],
                              x_v[0].at[pl.ds(0, nrows), :], sem_x[0]).wait()
        pltpu.sync_copy(tab_v.at[idx_all.at[pl.ds(NMAIN * CHUNK, nrows)]],
                        x_v[0].at[pl.ds(0, nrows), :], add=True)
        pltpu.sync_copy(x_v[0].at[pl.ds(0, nrows), :],
                        out_hbm.at[pl.ds(base, nrows), :])

    @pl.when(wid < NBIG)
    def _():
        do_tail(TAIL_B)

    @pl.when(wid >= NBIG)
    def _():
        do_tail(TAIL_S)


@jax.jit
def _run(x, idx, tab):
    mesh = plsc.VectorSubcoreMesh(core_axis_name="c", subcore_axis_name="s")
    f = pl.kernel(
        _sc_body,
        out_type=jax.ShapeDtypeStruct((N_NODES, D_FEAT), jnp.float32),
        mesh=mesh,
        scratch_types=(
            [pltpu.VMEM_SHARED((NUM_TYPES, D_FEAT), jnp.float32)]
            + [pltpu.VMEM((BIG,), jnp.int32)]
            + [pltpu.VMEM((CHUNK, D_FEAT), jnp.float32) for _ in range(NBUF)]
            + [pltpu.SemaphoreType.DMA for _ in range(2 * NBUF)]
        ),
    )
    return f(x, idx, tab)


def kernel(x, node_types, type_table):
    idx = node_types.astype(jnp.int32)
    return _run(x, idx, type_table)

# --- scband reference (transcript-rebuilt; emitter-appended) ---
"""Pipeline reference for scband-gnn-6253472383493 (READ-ONLY COPY).

The authoritative reference and input builder live on the scoring server;
editing this copy changes nothing except your own understanding.
"""

import jax, jax.numpy as jnp
import numpy as np

N_NODES = 100000
D_FEAT = 128
NUM_TYPES = 64

def setup_inputs(seed: int = 0) -> dict:
    key = jax.random.key(seed)
    k_x, k_t, k_w = jax.random.split(key, 3)
    x = jax.random.normal(k_x, (N_NODES, D_FEAT), dtype=jnp.float32)
    node_types = jax.random.randint(k_t, (N_NODES,), 0, NUM_TYPES, dtype=jnp.int64)
    # learned node-type embedding table (TypeEmbedder weight)
    type_table = jax.random.normal(k_w, (NUM_TYPES, D_FEAT), dtype=jnp.float32) * 0.02
    return {"x": x, "node_types": node_types, "type_table": type_table}

def reference(x, node_types, type_table):
    # GNN._forward with use_node_type_embeddings=True:
    #   type_embeddings = node_type_embedder(data.types.node_types)  -> embedding gather
    #   data.x = data.x + type_embeddings
    type_embeddings = jnp.take(type_table, node_types, axis=0)
    out = x + type_embeddings
    return out

if __name__ == "__main__":
    import jax
    _d = setup_inputs()
    print(jax.jit(kernel)(*tuple(_d.values())))

</pallas_src>

<mosaic_0001>
#map = affine_map<(d0, d1) -> (0, 0)>
#map1 = affine_map<(d0, d1) -> (0)>
module attributes {stable_mosaic.version = 14 : i64} {
  func.func @_sc_body(%arg0: i32, %arg1: i32, %arg2: memref<100000x128xf32, #tpu.memory_space<hbm>>, %arg3: memref<100000xi32, #tpu.memory_space<hbm>>, %arg4: memref<64x128xf32, #tpu.memory_space<hbm>>, %arg5: memref<100000x128xf32, #tpu.memory_space<hbm>>, %arg6: memref<64x128xf32, #tpu.memory_space<vmem_shared>>, %arg7: memref<3128xi32, #tpu.memory_space<vmem>>, %arg8: memref<256x128xf32, #tpu.memory_space<vmem>>, %arg9: memref<256x128xf32, #tpu.memory_space<vmem>>, %arg10: memref<256x128xf32, #tpu.memory_space<vmem>>, %arg11: memref<!tpu.dma_semaphore, #tpu.memory_space<semaphore_mem>>, %arg12: memref<!tpu.dma_semaphore, #tpu.memory_space<semaphore_mem>>, %arg13: memref<!tpu.dma_semaphore, #tpu.memory_space<semaphore_mem>>, %arg14: memref<!tpu.dma_semaphore, #tpu.memory_space<semaphore_mem>>, %arg15: memref<!tpu.dma_semaphore, #tpu.memory_space<semaphore_mem>>, %arg16: memref<!tpu.dma_semaphore, #tpu.memory_space<semaphore_mem>>) attributes {dimension_semantics = [#tpu.dimension_semantics<core_parallel>, #tpu.dimension_semantics<subcore_parallel>], iteration_bounds = array<i64: 2, 16>, scalar_prefetch = 0 : i64, scratch_operands = 11 : i64, tpu.core_type = #tpu.core_type<sc_vector_subcore>, window_params = [{transform_indices = #map}, {transform_indices = #map1}, {transform_indices = #map}, {transform_indices = #map}]} {
    %mul3A = arith.constant 2 : i32
    %mul3A_0 = arith.muli %arg1, %mul3A : i32
    %add3A = arith.addi %mul3A_0, %arg0 : i32
    %mul3A_1 = arith.constant 3120 : i32
    %mul3A_2 = arith.muli %add3A, %mul3A_1 : i32
    %min3A = arith.constant 20 : i32
    %min3A_3 = arith.minsi %add3A, %min3A : i32
    %mul3A_4 = arith.constant 8 : i32
    %mul3A_5 = arith.muli %min3A_3, %mul3A_4 : i32
    %add3A_6 = arith.addi %mul3A_2, %mul3A_5 : i32
    %eq3A = arith.constant 0 : i32
    %eq3A_7 = arith.cmpi eq, %arg1, %eq3A : i32
    %convert_element_type3A = arith.extui %eq3A_7 : i1 to i32
    %cond3A = arith.constant 0 : i32
    %cond3A_8 = arith.cmpi ne, %convert_element_type3A, %cond3A : i32
    scf.if %cond3A_8 {
      "tpu.region"() ({
        %run_scoped3A = tpu.sem_alloc : memref<!tpu.dma_semaphore, #tpu.memory_space<semaphore_mem>>
        tpu.enqueue_dma source(%arg4 : memref<64x128xf32, #tpu.memory_space<hbm>>) target(%arg6 : memref<64x128xf32, #tpu.memory_space<vmem_shared>>) target_semaphore(%run_scoped3A : memref<!tpu.dma_semaphore, #tpu.memory_space<semaphore_mem>>)
        tpu.wait_dma2 semaphore(%run_scoped3A : memref<!tpu.dma_semaphore, #tpu.memory_space<semaphore_mem>>) src(%arg4 : memref<64x128xf32, #tpu.memory_space<hbm>>) dst(%arg6 : memref<64x128xf32, #tpu.memory_space<vmem_shared>>)
        tpu.yield
      }) : () -> ()
    } else {
    }
    %barrier3A = arith.constant 0 : index
    tpu.barrier barrier_id(%barrier3A)
    %lt3A = arith.constant 20 : i32
    %lt3A_9 = arith.cmpi slt, %add3A, %lt3A : i32
    %convert_element_type3A_10 = arith.extui %lt3A_9 : i1 to i32
    %cond3A_11 = arith.constant 0 : i32
    %cond3A_12 = arith.cmpi ne, %convert_element_type3A_10, %cond3A_11 : i32
    scf.if %cond3A_12 {
      "tpu.region"() ({
        %run_scoped3A = tpu.sem_alloc : memref<!tpu.dma_semaphore, #tpu.memory_space<semaphore_mem>>
        %dma_start3A_66 = arith.constant 0 : i32
        %dma_start3A_67 = tpu.memref_slice %arg7[%dma_start3A_66] : memref<3128xi32, #tpu.memory_space<vmem>> -> memref<3128xi32, #tpu.memory_space<vmem>>
        %dma_start3A_68 = tpu.memref_slice %arg3[%add3A_6] : memref<100000xi32, #tpu.memory_space<hbm>> -> memref<3128xi32, #tpu.memory_space<hbm>>
        %dma_start3A_69 = arith.constant 0 : i32
        %dma_start3A_70 = tpu.memref_slice %arg7[%dma_start3A_69] : memref<3128xi32, #tpu.memory_space<vmem>> -> memref<3128xi32, #tpu.memory_space<vmem>>
        %dma_start3A_71 = tpu.memref_slice %arg3[%add3A_6] : memref<100000xi32, #tpu.memory_space<hbm>> -> memref<3128xi32, #tpu.memory_space<hbm>>
        tpu.enqueue_dma source(%dma_start3A_71 : memref<3128xi32, #tpu.memory_space<hbm>>) target(%dma_start3A_70 : memref<3128xi32, #tpu.memory_space<vmem>>) target_semaphore(%run_scoped3A : memref<!tpu.dma_semaphore, #tpu.memory_space<semaphore_mem>>)
        %dma_wait3A_72 = arith.constant 0 : i32
        %dma_wait3A_73 = tpu.memref_slice %arg7[%dma_wait3A_72] : memref<3128xi32, #tpu.memory_space<vmem>> -> memref<3128xi32, #tpu.memory_space<vmem>>
        %dma_wait3A_74 = tpu.memref_slice %arg3[%add3A_6] : memref<100000xi32, #tpu.memory_space<hbm>> -> memref<3128xi32, #tpu.memory_space<hbm>>
        %dma_wait3A_75 = arith.constant 0 : i32
        %dma_wait3A_76 = tpu.memref_slice %arg7[%dma_wait3A_75] : memref<3128xi32, #tpu.memory_space<vmem>> -> memref<3128xi32, #tpu.memory_space<vmem>>
        %dma_wait3A_77 = tpu.memref_slice %arg3[%add3A_6] : memref<100000xi32, #tpu.memory_space<hbm>> -> memref<3128xi32, #tpu.memory_space<hbm>>
        tpu.wait_dma2 semaphore(%run_scoped3A : memref<!tpu.dma_semaphore, #tpu.memory_space<semaphore_mem>>) src(%dma_wait3A_77 : memref<3128xi32, #tpu.memory_space<hbm>>) dst(%dma_wait3A_76 : memref<3128xi32, #tpu.memory_space<vmem>>)
        tpu.yield
      }) : () -> ()
    } else {
    }
    %ge3A = arith.constant 20 : i32
    %ge3A_13 = arith.cmpi sge, %add3A, %ge3A : i32
    %convert_element_type3A_14 = arith.extui %ge3A_13 : i1 to i32
    %cond3A_15 = arith.constant 0 : i32
    %cond3A_16 = arith.cmpi ne, %convert_element_type3A_14, %cond3A_15 : i32
    scf.if %cond3A_16 {
      "tpu.region"() ({
        %run_scoped3A = tpu.sem_alloc : memref<!tpu.dma_semaphore, #tpu.memory_space<semaphore_mem>>
        %dma_start3A_66 = arith.constant 0 : i32
        %dma_start3A_67 = tpu.memref_slice %arg7[%dma_start3A_66] : memref<3128xi32, #tpu.memory_space<vmem>> -> memref<3120xi32, #tpu.memory_space<vmem>>
        %dma_start3A_68 = tpu.memref_slice %arg3[%add3A_6] : memref<100000xi32, #tpu.memory_space<hbm>> -> memref<3120xi32, #tpu.memory_space<hbm>>
        %dma_start3A_69 = arith.constant 0 : i32
        %dma_start3A_70 = tpu.memref_slice %arg7[%dma_start3A_69] : memref<3128xi32, #tpu.memory_space<vmem>> -> memref<3120xi32, #tpu.memory_space<vmem>>
        %dma_start3A_71 = tpu.memref_slice %arg3[%add3A_6] : memref<100000xi32, #tpu.memory_space<hbm>> -> memref<3120xi32, #tpu.memory_space<hbm>>
        tpu.enqueue_dma source(%dma_start3A_71 : memref<3120xi32, #tpu.memory_space<hbm>>) target(%dma_start3A_70 : memref<3120xi32, #tpu.memory_space<vmem>>) target_semaphore(%run_scoped3A : memref<!tpu.dma_semaphore, #tpu.memory_space<semaphore_mem>>)
        %dma_wait3A_72 = arith.constant 0 : i32
        %dma_wait3A_73 = tpu.memref_slice %arg7[%dma_wait3A_72] : memref<3128xi32, #tpu.memory_space<vmem>> -> memref<3120xi32, #tpu.memory_space<vmem>>
        %dma_wait3A_74 = tpu.memref_slice %arg3[%add3A_6] : memref<100000xi32, #tpu.memory_space<hbm>> -> memref<3120xi32, #tpu.memory_space<hbm>>
        %dma_wait3A_75 = arith.constant 0 : i32
        %dma_wait3A_76 = tpu.memref_slice %arg7[%dma_wait3A_75] : memref<3128xi32, #tpu.memory_space<vmem>> -> memref<3120xi32, #tpu.memory_space<vmem>>
        %dma_wait3A_77 = tpu.memref_slice %arg3[%add3A_6] : memref<100000xi32, #tpu.memory_space<hbm>> -> memref<3120xi32, #tpu.memory_space<hbm>>
        tpu.wait_dma2 semaphore(%run_scoped3A : memref<!tpu.dma_semaphore, #tpu.memory_space<semaphore_mem>>) src(%dma_wait3A_77 : memref<3120xi32, #tpu.memory_space<hbm>>) dst(%dma_wait3A_76 : memref<3120xi32, #tpu.memory_space<vmem>>)
        tpu.yield
      }) : () -> ()
    } else {
    }
    %add3A_17 = arith.constant 0 : i32
    %add3A_18 = arith.addi %add3A_6, %add3A_17 : i32
    %dma_start3A = arith.constant 0 : i32
    %dma_start3A_19 = tpu.memref_slice %arg2[%add3A_18, %dma_start3A] : memref<100000x128xf32, #tpu.memory_space<hbm>> -> memref<256x128xf32, #tpu.memory_space<hbm>>
    %dma_start3A_20 = arith.constant 0 : i32
    %dma_start3A_21 = tpu.memref_slice %arg2[%add3A_18, %dma_start3A_20] : memref<100000x128xf32, #tpu.memory_space<hbm>> -> memref<256x128xf32, #tpu.memory_space<hbm>>
    tpu.enqueue_dma source(%dma_start3A_21 : memref<256x128xf32, #tpu.memory_space<hbm>>) target(%arg8 : memref<256x128xf32, #tpu.memory_space<vmem>>) target_semaphore(%arg11 : memref<!tpu.dma_semaphore, #tpu.memory_space<semaphore_mem>>)
    %scan3A = arith.constant 0 : i32
    %scan3A_22 = arith.constant 0 : i32
    %scan3A_23 = arith.constant 4 : i32
    %scan3A_24 = arith.addi %scan3A_22, %scan3A_23 : i32
    %scan3A_25 = arith.constant 1 : i32
    scf.for %scan3A_66 = %scan3A_22 to %scan3A_24 step %scan3A_25  : i32 {
      %mul3A_67 = arith.constant 3 : i32
      %mul3A_68 = arith.muli %scan3A_66, %mul3A_67 : i32
      %add3A_69 = arith.constant 0 : i32
      %add3A_70 = arith.addi %mul3A_68, %add3A_69 : i32
      %add3A_71 = arith.constant 1 : i32
      %add3A_72 = arith.addi %add3A_70, %add3A_71 : i32
      %lt3A_73 = arith.constant 12 : i32
      %lt3A_74 = arith.cmpi slt, %add3A_72, %lt3A_73 : i32
      %convert_element_type3A_75 = arith.extui %lt3A_74 : i1 to i32
      %cond3A_76 = arith.constant 0 : i32
      %cond3A_77 = arith.cmpi ne, %convert_element_type3A_75, %cond3A_76 : i32
      scf.if %cond3A_77 {
        %ge3A_163 = arith.constant 2 : i32
        %ge3A_164 = arith.cmpi sge, %add3A_70, %ge3A_163 : i32
        %convert_element_type3A_165 = arith.extui %ge3A_164 : i1 to i32
        %cond3A_166 = arith.constant 0 : i32
        %cond3A_167 = arith.cmpi ne, %convert_element_type3A_165, %cond3A_166 : i32
        scf.if %cond3A_167 {
          %dma_wait3A_177 = arith.constant 0 : i32
          %dma_wait3A_178 = arith.constant 0 : i32
          %dma_wait3A_179 = tpu.memref_slice %arg5[%dma_wait3A_177, %dma_wait3A_178] : memref<100000x128xf32, #tpu.memory_space<hbm>> -> memref<256x128xf32, #tpu.memory_space<hbm>>
          %dma_wait3A_180 = arith.constant 0 : i32
          %dma_wait3A_181 = arith.constant 0 : i32
          %dma_wait3A_182 = tpu.memref_slice %arg5[%dma_wait3A_180, %dma_wait3A_181] : memref<100000x128xf32, #tpu.memory_space<hbm>> -> memref<256x128xf32, #tpu.memory_space<hbm>>
          tpu.wait_dma2 semaphore(%arg15 : memref<!tpu.dma_semaphore, #tpu.memory_space<semaphore_mem>>) src(%arg9 : memref<256x128xf32, #tpu.memory_space<vmem>>) dst(%dma_wait3A_182 : memref<256x128xf32, #tpu.memory_space<hbm>>)
        } else {
        }
        %add3A_168 = arith.constant 1 : i32
        %add3A_169 = arith.addi %add3A_70, %add3A_168 : i32
        %mul3A_170 = arith.constant 256 : i32
        %mul3A_171 = arith.muli %add3A_169, %mul3A_170 : i32
        %add3A_172 = arith.addi %add3A_6, %mul3A_171 : i32
        %dma_start3A_173 = arith.constant 0 : i32
        %dma_start3A_174 = tpu.memref_slice %arg2[%add3A_172, %dma_start3A_173] : memref<100000x128xf32, #tpu.memory_space<hbm>> -> memref<256x128xf32, #tpu.memory_space<hbm>>
        %dma_start3A_175 = arith.constant 0 : i32
        %dma_start3A_176 = tpu.memref_slice %arg2[%add3A_172, %dma_start3A_175] : memref<100000x128xf32, #tpu.memory_space<hbm>> -> memref<256x128xf32, #tpu.memory_space<hbm>>
        tpu.enqueue_dma source(%dma_start3A_176 : memref<256x128xf32, #tpu.memory_space<hbm>>) target(%arg9 : memref<256x128xf32, #tpu.memory_space<vmem>>) target_semaphore(%arg12 : memref<!tpu.dma_semaphore, #tpu.memory_space<semaphore_mem>>)
      } else {
      }
      %dma_wait3A_78 = arith.constant 0 : i32
      %dma_wait3A_79 = arith.constant 0 : i32
      %dma_wait3A_80 = tpu.memref_slice %arg2[%dma_wait3A_78, %dma_wait3A_79] : memref<100000x128xf32, #tpu.memory_space<hbm>> -> memref<256x128xf32, #tpu.memory_space<hbm>>
      %dma_wait3A_81 = arith.constant 0 : i32
      %dma_wait3A_82 = arith.constant 0 : i32
      %dma_wait3A_83 = tpu.memref_slice %arg2[%dma_wait3A_81, %dma_wait3A_82] : memref<100000x128xf32, #tpu.memory_space<hbm>> -> memref<256x128xf32, #tpu.memory_space<hbm>>
      tpu.wait_dma2 semaphore(%arg11 : memref<!tpu.dma_semaphore, #tpu.memory_space<semaphore_mem>>) src(%dma_wait3A_83 : memref<256x128xf32, #tpu.memory_space<hbm>>) dst(%arg8 : memref<256x128xf32, #tpu.memory_space<vmem>>)
      %mul3A_84 = arith.constant 256 : i32
      %mul3A_85 = arith.muli %add3A_70, %mul3A_84 : i32
      %add3A_86 = arith.constant 0 : i32
      %add3A_87 = arith.addi %mul3A_85, %add3A_86 : i32
      "tpu.region"() ({
        %run_scoped3A = tpu.sem_alloc : memref<!tpu.dma_semaphore, #tpu.memory_space<semaphore_mem>>
        %dma_start3A_163 = arith.constant 0 : i32
        %dma_start3A_164 = arith.constant 0 : i32
        %dma_start3A_165 = tpu.memref_slice %arg8[%dma_start3A_163, %dma_start3A_164] : memref<256x128xf32, #tpu.memory_space<vmem>> -> memref<128x128xf32, #tpu.memory_space<vmem>>
        %dma_start3A_166 = tpu.memref_slice %arg7[%add3A_87] : memref<3128xi32, #tpu.memory_space<vmem>> -> memref<128xi32, #tpu.memory_space<vmem>>
        %dma_start3A_167 = arith.constant 0 : i32
        %dma_start3A_168 = arith.constant 0 : i32
        %dma_start3A_169 = tpu.memref_slice %arg6[%dma_start3A_167, %dma_start3A_168] : memref<64x128xf32, #tpu.memory_space<vmem_shared>> -> memref<64x128xf32, #tpu.memory_space<vmem_shared>>
        tpu.enqueue_indirect_dma source(%dma_start3A_169 : memref<64x128xf32, #tpu.memory_space<vmem_shared>>) target(%dma_start3A_165 : memref<128x128xf32, #tpu.memory_space<vmem>>) offsets(%dma_start3A_166 : memref<128xi32, #tpu.memory_space<vmem>>) semaphore(%run_scoped3A : memref<!tpu.dma_semaphore, #tpu.memory_space<semaphore_mem>>) {add = true}
        %dma_wait3A_170 = arith.constant 0 : i32
        %dma_wait3A_171 = arith.constant 0 : i32
        %dma_wait3A_172 = tpu.memref_slice %arg8[%dma_wait3A_170, %dma_wait3A_171] : memref<256x128xf32, #tpu.memory_space<vmem>> -> memref<128x128xf32, #tpu.memory_space<vmem>>
        %dma_wait3A_173 = tpu.memref_slice %arg7[%add3A_87] : memref<3128xi32, #tpu.memory_space<vmem>> -> memref<128xi32, #tpu.memory_space<vmem>>
        %dma_wait3A_174 = arith.constant 0 : i32
        %dma_wait3A_175 = arith.constant 0 : i32
        %dma_wait3A_176 = tpu.memref_slice %arg6[%dma_wait3A_174, %dma_wait3A_175] : memref<64x128xf32, #tpu.memory_space<vmem_shared>> -> memref<64x128xf32, #tpu.memory_space<vmem_shared>>
        tpu.wait_indirect_dma semaphore(%run_scoped3A : memref<!tpu.dma_semaphore, #tpu.memory_space<semaphore_mem>>) src(%dma_wait3A_176 : memref<64x128xf32, #tpu.memory_space<vmem_shared>>) dst(%dma_wait3A_172 : memref<128x128xf32, #tpu.memory_space<vmem>>)
        tpu.yield
      }) : () -> ()
      %mul3A_88 = arith.constant 256 : i32
      %mul3A_89 = arith.muli %add3A_70, %mul3A_88 : i32
      %add3A_90 = arith.constant 128 : i32
      %add3A_91 = arith.addi %mul3A_89, %add3A_90 : i32
      "tpu.region"() ({
        %run_scoped3A = tpu.sem_alloc : memref<!tpu.dma_semaphore, #tpu.memory_space<semaphore_mem>>
        %dma_start3A_163 = arith.constant 128 : i32
        %dma_start3A_164 = arith.constant 0 : i32
        %dma_start3A_165 = tpu.memref_slice %arg8[%dma_start3A_163, %dma_start3A_164] : memref<256x128xf32, #tpu.memory_space<vmem>> -> memref<128x128xf32, #tpu.memory_space<vmem>>
        %dma_start3A_166 = tpu.memref_slice %arg7[%add3A_91] : memref<3128xi32, #tpu.memory_space<vmem>> -> memref<128xi32, #tpu.memory_space<vmem>>
        %dma_start3A_167 = arith.constant 0 : i32
        %dma_start3A_168 = arith.constant 0 : i32
        %dma_start3A_169 = tpu.memref_slice %arg6[%dma_start3A_167, %dma_start3A_168] : memref<64x128xf32, #tpu.memory_space<vmem_shared>> -> memref<64x128xf32, #tpu.memory_space<vmem_shared>>
        tpu.enqueue_indirect_dma source(%dma_start3A_169 : memref<64x128xf32, #tpu.memory_space<vmem_shared>>) target(%dma_start3A_165 : memref<128x128xf32, #tpu.memory_space<vmem>>) offsets(%dma_start3A_166 : memref<128xi32, #tpu.memory_space<vmem>>) semaphore(%run_scoped3A : memref<!tpu.dma_semaphore, #tpu.memory_space<semaphore_mem>>) {add = true}
        %dma_wait3A_170 = arith.constant 128 : i32
        %dma_wait3A_171 = arith.constant 0 : i32
        %dma_wait3A_172 = tpu.memref_slice %arg8[%dma_wait3A_170, %dma_wait3A_171] : memref<256x128xf32, #tpu.memory_space<vmem>> -> memref<128x128xf32, #tpu.memory_space<vmem>>
        %dma_wait3A_173 = tpu.memref_slice %arg7[%add3A_91] : memref<3128xi32, #tpu.memory_space<vmem>> -> memref<128xi32, #tpu.memory_space<vmem>>
        %dma_wait3A_174 = arith.constant 0 : i32
        %dma_wait3A_175 = arith.constant 0 : i32
        %dma_wait3A_176 = tpu.memref_slice %arg6[%dma_wait3A_174, %dma_wait3A_175] : memref<64x128xf32, #tpu.memory_space<vmem_shared>> -> memref<64x128xf32, #tpu.memory_space<vmem_shared>>
        tpu.wait_indirect_dma semaphore(%run_scoped3A : memref<!tpu.dma_semaphore, #tpu.memory_space<semaphore_mem>>) src(%dma_wait3A_176 : memref<64x128xf32, #tpu.memory_space<vmem_shared>>) dst(%dma_wait3A_172 : memref<128x128xf32, #tpu.memory_space<vmem>>)
        tpu.yield
      }) : () -> ()
      %mul3A_92 = arith.constant 256 : i32
      %mul3A_93 = arith.muli %add3A_70, %mul3A_92 : i32
      %add3A_94 = arith.addi %add3A_6, %mul3A_93 : i32
      %dma_start3A_95 = arith.constant 0 : i32
      %dma_start3A_96 = tpu.memref_slice %arg5[%add3A_94, %dma_start3A_95] : memref<100000x128xf32, #tpu.memory_space<hbm>> -> memref<256x128xf32, #tpu.memory_space<hbm>>
      %dma_start3A_97 = arith.constant 0 : i32
      %dma_start3A_98 = tpu.memref_slice %arg5[%add3A_94, %dma_start3A_97] : memref<100000x128xf32, #tpu.memory_space<hbm>> -> memref<256x128xf32, #tpu.memory_space<hbm>>
      tpu.enqueue_dma source(%arg8 : memref<256x128xf32, #tpu.memory_space<vmem>>) target(%dma_start3A_98 : memref<256x128xf32, #tpu.memory_space<hbm>>) target_semaphore(%arg14 : memref<!tpu.dma_semaphore, #tpu.memory_space<semaphore_mem>>)
      %mul3A_99 = arith.constant 3 : i32
      %mul3A_100 = arith.muli %scan3A_66, %mul3A_99 : i32
      %add3A_101 = arith.constant 1 : i32
      %add3A_102 = arith.addi %mul3A_100, %add3A_101 : i32
      %add3A_103 = arith.constant 1 : i32
      %add3A_104 = arith.addi %add3A_102, %add3A_103 : i32
      %lt3A_105 = arith.constant 12 : i32
      %lt3A_106 = arith.cmpi slt, %add3A_104, %lt3A_105 : i32
      %convert_element_type3A_107 = arith.extui %lt3A_106 : i1 to i32
      %cond3A_108 = arith.constant 0 : i32
      %cond3A_109 = arith.cmpi ne, %convert_element_type3A_107, %cond3A_108 : i32
      scf.if %cond3A_109 {
        %ge3A_163 = arith.constant 2 : i32
        %ge3A_164 = arith.cmpi sge, %add3A_102, %ge3A_163 : i32
        %convert_element_type3A_165 = arith.extui %ge3A_164 : i1 to i32
        %cond3A_166 = arith.constant 0 : i32
        %cond3A_167 = arith.cmpi ne, %convert_element_type3A_165, %cond3A_166 : i32
        scf.if %cond3A_167 {
          %dma_wait3A_177 = arith.constant 0 : i32
          %dma_wait3A_178 = arith.constant 0 : i32
          %dma_wait3A_179 = tpu.memref_slice %arg5[%dma_wait3A_177, %dma_wait3A_178] : memref<100000x128xf32, #tpu.memory_space<hbm>> -> memref<256x128xf32, #tpu.memory_space<hbm>>
          %dma_wait3A_180 = arith.constant 0 : i32
          %dma_wait3A_181 = arith.constant 0 : i32
          %dma_wait3A_182 = tpu.memref_slice %arg5[%dma_wait3A_180, %dma_wait3A_181] : memref<100000x128xf32, #tpu.memory_space<hbm>> -> memref<256x128xf32, #tpu.memory_space<hbm>>
          tpu.wait_dma2 semaphore(%arg16 : memref<!tpu.dma_semaphore, #tpu.memory_space<semaphore_mem>>) src(%arg10 : memref<256x128xf32, #tpu.memory_space<vmem>>) dst(%dma_wait3A_182 : memref<256x128xf32, #tpu.memory_space<hbm>>)
        } else {
        }
        %add3A_168 = arith.constant 1 : i32
        %add3A_169 = arith.addi %add3A_102, %add3A_168 : i32
        %mul3A_170 = arith.constant 256 : i32
        %mul3A_171 = arith.muli %add3A_169, %mul3A_170 : i32
        %add3A_172 = arith.addi %add3A_6, %mul3A_171 : i32
        %dma_start3A_173 = arith.constant 0 : i32
        %dma_start3A_174 = tpu.memref_slice %arg2[%add3A_172, %dma_start3A_173] : memref<100000x128xf32, #tpu.memory_space<hbm>> -> memref<256x128xf32, #tpu.memory_space<hbm>>
        %dma_start3A_175 = arith.constant 0 : i32
        %dma_start3A_176 = tpu.memref_slice %arg2[%add3A_172, %dma_start3A_175] : memref<100000x128xf32, #tpu.memory_space<hbm>> -> memref<256x128xf32, #tpu.memory_space<hbm>>
        tpu.enqueue_dma source(%dma_start3A_176 : memref<256x128xf32, #tpu.memory_space<hbm>>) target(%arg10 : memref<256x128xf32, #tpu.memory_space<vmem>>) target_semaphore(%arg13 : memref<!tpu.dma_semaphore, #tpu.memory_space<semaphore_mem>>)
      } else {
      }
      %dma_wait3A_110 = arith.constant 0 : i32
      %dma_wait3A_111 = arith.constant 0 : i32
      %dma_wait3A_112 = tpu.memref_slice %arg2[%dma_wait3A_110, %dma_wait3A_111] : memref<100000x128xf32, #tpu.memory_space<hbm>> -> memref<256x128xf32, #tpu.memory_space<hbm>>
      %dma_wait3A_113 = arith.constant 0 : i32
      %dma_wait3A_114 = arith.constant 0 : i32
      %dma_wait3A_115 = tpu.memref_slice %arg2[%dma_wait3A_113, %dma_wait3A_114] : memref<100000x128xf32, #tpu.memory_space<hbm>> -> memref<256x128xf32, #tpu.memory_space<hbm>>
      tpu.wait_dma2 semaphore(%arg12 : memref<!tpu.dma_semaphore, #tpu.memory_space<semaphore_mem>>) src(%dma_wait3A_115 : memref<256x128xf32, #tpu.memory_space<hbm>>) dst(%arg9 : memref<256x128xf32, #tpu.memory_space<vmem>>)
      %mul3A_116 = arith.constant 256 : i32
      %mul3A_117 = arith.muli %add3A_102, %mul3A_116 : i32
      %add3A_118 = arith.constant 0 : i32
      %add3A_119 = arith.addi %mul3A_117, %add3A_118 : i32
      "tpu.region"() ({
        %run_scoped3A = tpu.sem_alloc : memref<!tpu.dma_semaphore, #tpu.memory_space<semaphore_mem>>
        %dma_start3A_163 = arith.constant 0 : i32
        %dma_start3A_164 = arith.constant 0 : i32
        %dma_start3A_165 = tpu.memref_slice %arg9[%dma_start3A_163, %dma_start3A_164] : memref<256x128xf32, #tpu.memory_space<vmem>> -> memref<128x128xf32, #tpu.memory_space<vmem>>
        %dma_start3A_166 = tpu.memref_slice %arg7[%add3A_119] : memref<3128xi32, #tpu.memory_space<vmem>> -> memref<128xi32, #tpu.memory_space<vmem>>
        %dma_start3A_167 = arith.constant 0 : i32
        %dma_start3A_168 = arith.constant 0 : i32
        %dma_start3A_169 = tpu.memref_slice %arg6[%dma_start3A_167, %dma_start3A_168] : memref<64x128xf32, #tpu.memory_space<vmem_shared>> -> memref<64x128xf32, #tpu.memory_space<vmem_shared>>
        tpu.enqueue_indirect_dma source(%dma_start3A_169 : memref<64x128xf32, #tpu.memory_space<vmem_shared>>) target(%dma_start3A_165 : memref<128x128xf32, #tpu.memory_space<vmem>>) offsets(%dma_start3A_166 : memref<128xi32, #tpu.memory_space<vmem>>) semaphore(%run_scoped3A : memref<!tpu.dma_semaphore, #tpu.memory_space<semaphore_mem>>) {add = true}
        %dma_wait3A_170 = arith.constant 0 : i32
        %dma_wait3A_171 = arith.constant 0 : i32
        %dma_wait3A_172 = tpu.memref_slice %arg9[%dma_wait3A_170, %dma_wait3A_171] : memref<256x128xf32, #tpu.memory_space<vmem>> -> memref<128x128xf32, #tpu.memory_space<vmem>>
        %dma_wait3A_173 = tpu.memref_slice %arg7[%add3A_119] : memref<3128xi32, #tpu.memory_space<vmem>> -> memref<128xi32, #tpu.memory_space<vmem>>
        %dma_wait3A_174 = arith.constant 0 : i32
        %dma_wait3A_175 = arith.constant 0 : i32
        %dma_wait3A_176 = tpu.memref_slice %arg6[%dma_wait3A_174, %dma_wait3A_175] : memref<64x128xf32, #tpu.memory_space<vmem_shared>> -> memref<64x128xf32, #tpu.memory_space<vmem_shared>>
        tpu.wait_indirect_dma semaphore(%run_scoped3A : memref<!tpu.dma_semaphore, #tpu.memory_space<semaphore_mem>>) src(%dma_wait3A_176 : memref<64x128xf32, #tpu.memory_space<vmem_shared>>) dst(%dma_wait3A_172 : memref<128x128xf32, #tpu.memory_space<vmem>>)
        tpu.yield
      }) : () -> ()
      %mul3A_120 = arith.constant 256 : i32
      %mul3A_121 = arith.muli %add3A_102, %mul3A_120 : i32
      %add3A_122 = arith.constant 128 : i32
      %add3A_123 = arith.addi %mul3A_121, %add3A_122 : i32
      "tpu.region"() ({
        %run_scoped3A = tpu.sem_alloc : memref<!tpu.dma_semaphore, #tpu.memory_space<semaphore_mem>>
        %dma_start3A_163 = arith.constant 128 : i32
        %dma_start3A_164 = arith.constant 0 : i32
        %dma_start3A_165 = tpu.memref_slice %arg9[%dma_start3A_163, %dma_start3A_164] : memref<256x128xf32, #tpu.memory_space<vmem>> -> memref<128x128xf32, #tpu.memory_space<vmem>>
        %dma_start3A_166 = tpu.memref_slice %arg7[%add3A_123] : memref<3128xi32, #tpu.memory_space<vmem>> -> memref<128xi32, #tpu.memory_space<vmem>>
        %dma_start3A_167 = arith.constant 0 : i32
        %dma_start3A_168 = arith.constant 0 : i32
        %dma_start3A_169 = tpu.memref_slice %arg6[%dma_start3A_167, %dma_start3A_168] : memref<64x128xf32, #tpu.memory_space<vmem_shared>> -> memref<64x128xf32, #tpu.memory_space<vmem_shared>>
        tpu.enqueue_indirect_dma source(%dma_start3A_169 : memref<64x128xf32, #tpu.memory_space<vmem_shared>>) target(%dma_start3A_165 : memref<128x128xf32, #tpu.memory_space<vmem>>) offsets(%dma_start3A_166 : memref<128xi32, #tpu.memory_space<vmem>>) semaphore(%run_scoped3A : memref<!tpu.dma_semaphore, #tpu.memory_space<semaphore_mem>>) {add = true}
        %dma_wait3A_170 = arith.constant 128 : i32
        %dma_wait3A_171 = arith.constant 0 : i32
        %dma_wait3A_172 = tpu.memref_slice %arg9[%dma_wait3A_170, %dma_wait3A_171] : memref<256x128xf32, #tpu.memory_space<vmem>> -> memref<128x128xf32, #tpu.memory_space<vmem>>
        %dma_wait3A_173 = tpu.memref_slice %arg7[%add3A_123] : memref<3128xi32, #tpu.memory_space<vmem>> -> memref<128xi32, #tpu.memory_space<vmem>>
        %dma_wait3A_174 = arith.constant 0 : i32
        %dma_wait3A_175 = arith.constant 0 : i32
        %dma_wait3A_176 = tpu.memref_slice %arg6[%dma_wait3A_174, %dma_wait3A_175] : memref<64x128xf32, #tpu.memory_space<vmem_shared>> -> memref<64x128xf32, #tpu.memory_space<vmem_shared>>
        tpu.wait_indirect_dma semaphore(%run_scoped3A : memref<!tpu.dma_semaphore, #tpu.memory_space<semaphore_mem>>) src(%dma_wait3A_176 : memref<64x128xf32, #tpu.memory_space<vmem_shared>>) dst(%dma_wait3A_172 : memref<128x128xf32, #tpu.memory_space<vmem>>)
        tpu.yield
      }) : () -> ()
      %mul3A_124 = arith.constant 256 : i32
      %mul3A_125 = arith.muli %add3A_102, %mul3A_124 : i32
      %add3A_126 = arith.addi %add3A_6, %mul3A_125 : i32
      %dma_start3A_127 = arith.constant 0 : i32
      %dma_start3A_128 = tpu.memref_slice %arg5[%add3A_126, %dma_start3A_127] : memref<100000x128xf32, #tpu.memory_space<hbm>> -> memref<256x128xf32, #tpu.memory_space<hbm>>
      %dma_start3A_129 = arith.constant 0 : i32
      %dma_start3A_130 = tpu.memref_slice %arg5[%add3A_126, %dma_start3A_129] : memref<100000x128xf32, #tpu.memory_space<hbm>> -> memref<256x128xf32, #tpu.memory_space<hbm>>
      tpu.enqueue_dma source(%arg9 : memref<256x128xf32, #tpu.memory_space<vmem>>) target(%dma_start3A_130 : memref<256x128xf32, #tpu.memory_space<hbm>>) target_semaphore(%arg15 : memref<!tpu.dma_semaphore, #tpu.memory_space<semaphore_mem>>)
      %mul3A_131 = arith.constant 3 : i32
      %mul3A_132 = arith.muli %scan3A_66, %mul3A_131 : i32
      %add3A_133 = arith.constant 2 : i32
      %add3A_134 = arith.addi %mul3A_132, %add3A_133 : i32
      %add3A_135 = arith.constant 1 : i32
      %add3A_136 = arith.addi %add3A_134, %add3A_135 : i32
      %lt3A_137 = arith.constant 12 : i32
      %lt3A_138 = arith.cmpi slt, %add3A_136, %lt3A_137 : i32
      %convert_element_type3A_139 = arith.extui %lt3A_138 : i1 to i32
      %cond3A_140 = arith.constant 0 : i32
      %cond3A_141 = arith.cmpi ne, %convert_element_type3A_139, %cond3A_140 : i32
      scf.if %cond3A_141 {
        %ge3A_163 = arith.constant 2 : i32
        %ge3A_164 = arith.cmpi sge, %add3A_134, %ge3A_163 : i32
        %convert_element_type3A_165 = arith.extui %ge3A_164 : i1 to i32
        %cond3A_166 = arith.constant 0 : i32
        %cond3A_167 = arith.cmpi ne, %convert_element_type3A_165, %cond3A_166 : i32
        scf.if %cond3A_167 {
          %dma_wait3A_177 = arith.constant 0 : i32
          %dma_wait3A_178 = arith.constant 0 : i32
          %dma_wait3A_179 = tpu.memref_slice %arg5[%dma_wait3A_177, %dma_wait3A_178] : memref<100000x128xf32, #tpu.memory_space<hbm>> -> memref<256x128xf32, #tpu.memory_space<hbm>>
          %dma_wait3A_180 = arith.constant 0 : i32
          %dma_wait3A_181 = arith.constant 0 : i32
          %dma_wait3A_182 = tpu.memref_slice %arg5[%dma_wait3A_180, %dma_wait3A_181] : memref<100000x128xf32, #tpu.memory_space<hbm>> -> memref<256x128xf32, #tpu.memory_space<hbm>>
          tpu.wait_dma2 semaphore(%arg14 : memref<!tpu.dma_semaphore, #tpu.memory_space<semaphore_mem>>) src(%arg8 : memref<256x128xf32, #tpu.memory_space<vmem>>) dst(%dma_wait3A_182 : memref<256x128xf32, #tpu.memory_space<hbm>>)
        } else {
        }
        %add3A_168 = arith.constant 1 : i32
        %add3A_169 = arith.addi %add3A_134, %add3A_168 : i32
        %mul3A_170 = arith.constant 256 : i32
        %mul3A_171 = arith.muli %add3A_169, %mul3A_170 : i32
        %add3A_172 = arith.addi %add3A_6, %mul3A_171 : i32
        %dma_start3A_173 = arith.constant 0 : i32
        %dma_start3A_174 = tpu.memref_slice %arg2[%add3A_172, %dma_start3A_173] : memref<100000x128xf32, #tpu.memory_space<hbm>> -> memref<256x128xf32, #tpu.memory_space<hbm>>
        %dma_start3A_175 = arith.constant 0 : i32
        %dma_start3A_176 = tpu.memref_slice %arg2[%add3A_172, %dma_start3A_175] : memref<100000x128xf32, #tpu.memory_space<hbm>> -> memref<256x128xf32, #tpu.memory_space<hbm>>
        tpu.enqueue_dma source(%dma_start3A_176 : memref<256x128xf32, #tpu.memory_space<hbm>>) target(%arg8 : memref<256x128xf32, #tpu.memory_space<vmem>>) target_semaphore(%arg11 : memref<!tpu.dma_semaphore, #tpu.memory_space<semaphore_mem>>)
      } else {
      }
      %dma_wait3A_142 = arith.constant 0 : i32
      %dma_wait3A_143 = arith.constant 0 : i32
      %dma_wait3A_144 = tpu.memref_slice %arg2[%dma_wait3A_142, %dma_wait3A_143] : memref<100000x128xf32, #tpu.memory_space<hbm>> -> memref<256x128xf32, #tpu.memory_space<hbm>>
      %dma_wait3A_145 = arith.constant 0 : i32
      %dma_wait3A_146 = arith.constant 0 : i32
      %dma_wait3A_147 = tpu.memref_slice %arg2[%dma_wait3A_145, %dma_wait3A_146] : memref<100000x128xf32, #tpu.memory_space<hbm>> -> memref<256x128xf32, #tpu.memory_space<hbm>>
      tpu.wait_dma2 semaphore(%arg13 : memref<!tpu.dma_semaphore, #tpu.memory_space<semaphore_mem>>) src(%dma_wait3A_147 : memref<256x128xf32, #tpu.memory_space<hbm>>) dst(%arg10 : memref<256x128xf32, #tpu.memory_space<vmem>>)
      %mul3A_148 = arith.constant 256 : i32
      %mul3A_149 = arith.muli %add3A_134, %mul3A_148 : i32
      %add3A_150 = arith.constant 0 : i32
      %add3A_151 = arith.addi %mul3A_149, %add3A_150 : i32
      "tpu.region"() ({
        %run_scoped3A = tpu.sem_alloc : memref<!tpu.dma_semaphore, #tpu.memory_space<semaphore_mem>>
        %dma_start3A_163 = arith.constant 0 : i32
        %dma_start3A_164 = arith.constant 0 : i32
        %dma_start3A_165 = tpu.memref_slice %arg10[%dma_start3A_163, %dma_start3A_164] : memref<256x128xf32, #tpu.memory_space<vmem>> -> memref<128x128xf32, #tpu.memory_space<vmem>>
        %dma_start3A_166 = tpu.memref_slice %arg7[%add3A_151] : memref<3128xi32, #tpu.memory_space<vmem>> -> memref<128xi32, #tpu.memory_space<vmem>>
        %dma_start3A_167 = arith.constant 0 : i32
        %dma_start3A_168 = arith.constant 0 : i32
        %dma_start3A_169 = tpu.memref_slice %arg6[%dma_start3A_167, %dma_start3A_168] : memref<64x128xf32, #tpu.memory_space<vmem_shared>> -> memref<64x128xf32, #tpu.memory_space<vmem_shared>>
        tpu.enqueue_indirect_dma source(%dma_start3A_169 : memref<64x128xf32, #tpu.memory_space<vmem_shared>>) target(%dma_start3A_165 : memref<128x128xf32, #tpu.memory_space<vmem>>) offsets(%dma_start3A_166 : memref<128xi32, #tpu.memory_space<vmem>>) semaphore(%run_scoped3A : memref<!tpu.dma_semaphore, #tpu.memory_space<semaphore_mem>>) {add = true}
        %dma_wait3A_170 = arith.constant 0 : i32
        %dma_wait3A_171 = arith.constant 0 : i32
        %dma_wait3A_172 = tpu.memref_slice %arg10[%dma_wait3A_170, %dma_wait3A_171] : memref<256x128xf32, #tpu.memory_space<vmem>> -> memref<128x128xf32, #tpu.memory_space<vmem>>
        %dma_wait3A_173 = tpu.memref_slice %arg7[%add3A_151] : memref<3128xi32, #tpu.memory_space<vmem>> -> memref<128xi32, #tpu.memory_space<vmem>>
        %dma_wait3A_174 = arith.constant 0 : i32
        %dma_wait3A_175 = arith.constant 0 : i32
        %dma_wait3A_176 = tpu.memref_slice %arg6[%dma_wait3A_174, %dma_wait3A_175] : memref<64x128xf32, #tpu.memory_space<vmem_shared>> -> memref<64x128xf32, #tpu.memory_space<vmem_shared>>
        tpu.wait_indirect_dma semaphore(%run_scoped3A : memref<!tpu.dma_semaphore, #tpu.memory_space<semaphore_mem>>) src(%dma_wait3A_176 : memref<64x128xf32, #tpu.memory_space<vmem_shared>>) dst(%dma_wait3A_172 : memref<128x128xf32, #tpu.memory_space<vmem>>)
        tpu.yield
      }) : () -> ()
      %mul3A_152 = arith.constant 256 : i32
      %mul3A_153 = arith.muli %add3A_134, %mul3A_152 : i32
      %add3A_154 = arith.constant 128 : i32
      %add3A_155 = arith.addi %mul3A_153, %add3A_154 : i32
      "tpu.region"() ({
        %run_scoped3A = tpu.sem_alloc : memref<!tpu.dma_semaphore, #tpu.memory_space<semaphore_mem>>
        %dma_start3A_163 = arith.constant 128 : i32
        %dma_start3A_164 = arith.constant 0 : i32
        %dma_start3A_165 = tpu.memref_slice %arg10[%dma_start3A_163, %dma_start3A_164] : memref<256x128xf32, #tpu.memory_space<vmem>> -> memref<128x128xf32, #tpu.memory_space<vmem>>
        %dma_start3A_166 = tpu.memref_slice %arg7[%add3A_155] : memref<3128xi32, #tpu.memory_space<vmem>> -> memref<128xi32, #tpu.memory_space<vmem>>
        %dma_start3A_167 = arith.constant 0 : i32
        %dma_start3A_168 = arith.constant 0 : i32
        %dma_start3A_169 = tpu.memref_slice %arg6[%dma_start3A_167, %dma_start3A_168] : memref<64x128xf32, #tpu.memory_space<vmem_shared>> -> memref<64x128xf32, #tpu.memory_space<vmem_shared>>
        tpu.enqueue_indirect_dma source(%dma_start3A_169 : memref<64x128xf32, #tpu.memory_space<vmem_shared>>) target(%dma_start3A_165 : memref<128x128xf32, #tpu.memory_space<vmem>>) offsets(%dma_start3A_166 : memref<128xi32, #tpu.memory_space<vmem>>) semaphore(%run_scoped3A : memref<!tpu.dma_semaphore, #tpu.memory_space<semaphore_mem>>) {add = true}
        %dma_wait3A_170 = arith.constant 128 : i32
        %dma_wait3A_171 = arith.constant 0 : i32
        %dma_wait3A_172 = tpu.memref_slice %arg10[%dma_wait3A_170, %dma_wait3A_171] : memref<256x128xf32, #tpu.memory_space<vmem>> -> memref<128x128xf32, #tpu.memory_space<vmem>>
        %dma_wait3A_173 = tpu.memref_slice %arg7[%add3A_155] : memref<3128xi32, #tpu.memory_space<vmem>> -> memref<128xi32, #tpu.memory_space<vmem>>
        %dma_wait3A_174 = arith.constant 0 : i32
        %dma_wait3A_175 = arith.constant 0 : i32
        %dma_wait3A_176 = tpu.memref_slice %arg6[%dma_wait3A_174, %dma_wait3A_175] : memref<64x128xf32, #tpu.memory_space<vmem_shared>> -> memref<64x128xf32, #tpu.memory_space<vmem_shared>>
        tpu.wait_indirect_dma semaphore(%run_scoped3A : memref<!tpu.dma_semaphore, #tpu.memory_space<semaphore_mem>>) src(%dma_wait3A_176 : memref<64x128xf32, #tpu.memory_space<vmem_shared>>) dst(%dma_wait3A_172 : memref<128x128xf32, #tpu.memory_space<vmem>>)
        tpu.yield
      }) : () -> ()
      %mul3A_156 = arith.constant 256 : i32
      %mul3A_157 = arith.muli %add3A_134, %mul3A_156 : i32
      %add3A_158 = arith.addi %add3A_6, %mul3A_157 : i32
      %dma_start3A_159 = arith.constant 0 : i32
      %dma_start3A_160 = tpu.memref_slice %arg5[%add3A_158, %dma_start3A_159] : memref<100000x128xf32, #tpu.memory_space<hbm>> -> memref<256x128xf32, #tpu.memory_space<hbm>>
      %dma_start3A_161 = arith.constant 0 : i32
      %dma_start3A_162 = tpu.memref_slice %arg5[%add3A_158, %dma_start3A_161] : memref<100000x128xf32, #tpu.memory_space<hbm>> -> memref<256x128xf32, #tpu.memory_space<hbm>>
      tpu.enqueue_dma source(%arg10 : memref<256x128xf32, #tpu.memory_space<vmem>>) target(%dma_start3A_162 : memref<256x128xf32, #tpu.memory_space<hbm>>) target_semaphore(%arg16 : memref<!tpu.dma_semaphore, #tpu.memory_space<semaphore_mem>>)
    }
    %scan3A_26 = arith.constant 4 : i32
    %dma_wait3A = arith.constant 0 : i32
    %dma_wait3A_27 = arith.constant 0 : i32
    %dma_wait3A_28 = tpu.memref_slice %arg5[%dma_wait3A, %dma_wait3A_27] : memref<100000x128xf32, #tpu.memory_space<hbm>> -> memref<256x128xf32, #tpu.memory_space<hbm>>
    %dma_wait3A_29 = arith.constant 0 : i32
    %dma_wait3A_30 = arith.constant 0 : i32
    %dma_wait3A_31 = tpu.memref_slice %arg5[%dma_wait3A_29, %dma_wait3A_30] : memref<100000x128xf32, #tpu.memory_space<hbm>> -> memref<256x128xf32, #tpu.memory_space<hbm>>
    tpu.wait_dma2 semaphore(%arg14 : memref<!tpu.dma_semaphore, #tpu.memory_space<semaphore_mem>>) src(%arg8 : memref<256x128xf32, #tpu.memory_space<vmem>>) dst(%dma_wait3A_31 : memref<256x128xf32, #tpu.memory_space<hbm>>)
    %add3A_32 = arith.constant 3072 : i32
    %add3A_33 = arith.addi %add3A_6, %add3A_32 : i32
    %lt3A_34 = arith.constant 20 : i32
    %lt3A_35 = arith.cmpi slt, %add3A, %lt3A_34 : i32
    %convert_element_type3A_36 = arith.extui %lt3A_35 : i1 to i32
    %cond3A_37 = arith.constant 0 : i32
    %cond3A_38 = arith.cmpi ne, %convert_element_type3A_36, %cond3A_37 : i32
    scf.if %cond3A_38 {
      %dma_start3A_66 = arith.constant 0 : i32
      %dma_start3A_67 = arith.constant 0 : i32
      %dma_start3A_68 = tpu.memref_slice %arg8[%dma_start3A_66, %dma_start3A_67] : memref<256x128xf32, #tpu.memory_space<vmem>> -> memref<56x128xf32, #tpu.memory_space<vmem>>
      %dma_start3A_69 = arith.constant 0 : i32
      %dma_start3A_70 = tpu.memref_slice %arg2[%add3A_33, %dma_start3A_69] : memref<100000x128xf32, #tpu.memory_space<hbm>> -> memref<56x128xf32, #tpu.memory_space<hbm>>
      %dma_start3A_71 = arith.constant 0 : i32
      %dma_start3A_72 = arith.constant 0 : i32
      %dma_start3A_73 = tpu.memref_slice %arg8[%dma_start3A_71, %dma_start3A_72] : memref<256x128xf32, #tpu.memory_space<vmem>> -> memref<56x128xf32, #tpu.memory_space<vmem>>
      %dma_start3A_74 = arith.constant 0 : i32
      %dma_start3A_75 = tpu.memref_slice %arg2[%add3A_33, %dma_start3A_74] : memref<100000x128xf32, #tpu.memory_space<hbm>> -> memref<56x128xf32, #tpu.memory_space<hbm>>
      tpu.enqueue_dma source(%dma_start3A_75 : memref<56x128xf32, #tpu.memory_space<hbm>>) target(%dma_start3A_73 : memref<56x128xf32, #tpu.memory_space<vmem>>) target_semaphore(%arg11 : memref<!tpu.dma_semaphore, #tpu.memory_space<semaphore_mem>>)
    } else {
    }
    %ge3A_39 = arith.constant 20 : i32
    %ge3A_40 = arith.cmpi sge, %add3A, %ge3A_39 : i32
    %convert_element_type3A_41 = arith.extui %ge3A_40 : i1 to i32
    %cond3A_42 = arith.constant 0 : i32
    %cond3A_43 = arith.cmpi ne, %convert_element_type3A_41, %cond3A_42 : i32
    scf.if %cond3A_43 {
      %dma_start3A_66 = arith.constant 0 : i32
      %dma_start3A_67 = arith.constant 0 : i32
      %dma_start3A_68 = tpu.memref_slice %arg8[%dma_start3A_66, %dma_start3A_67] : memref<256x128xf32, #tpu.memory_space<vmem>> -> memref<48x128xf32, #tpu.memory_space<vmem>>
      %dma_start3A_69 = arith.constant 0 : i32
      %dma_start3A_70 = tpu.memref_slice %arg2[%add3A_33, %dma_start3A_69] : memref<100000x128xf32, #tpu.memory_space<hbm>> -> memref<48x128xf32, #tpu.memory_space<hbm>>
      %dma_start3A_71 = arith.constant 0 : i32
      %dma_start3A_72 = arith.constant 0 : i32
      %dma_start3A_73 = tpu.memref_slice %arg8[%dma_start3A_71, %dma_start3A_72] : memref<256x128xf32, #tpu.memory_space<vmem>> -> memref<48x128xf32, #tpu.memory_space<vmem>>
      %dma_start3A_74 = arith.constant 0 : i32
      %dma_start3A_75 = tpu.memref_slice %arg2[%add3A_33, %dma_start3A_74] : memref<100000x128xf32, #tpu.memory_space<hbm>> -> memref<48x128xf32, #tpu.memory_space<hbm>>
      tpu.enqueue_dma source(%dma_start3A_75 : memref<48x128xf32, #tpu.memory_space<hbm>>) target(%dma_start3A_73 : memref<48x128xf32, #tpu.memory_space<vmem>>) target_semaphore(%arg11 : memref<!tpu.dma_semaphore, #tpu.memory_space<semaphore_mem>>)
    } else {
    }
    %dma_wait3A_44 = arith.constant 0 : i32
    %dma_wait3A_45 = arith.constant 0 : i32
    %dma_wait3A_46 = tpu.memref_slice %arg5[%dma_wait3A_44, %dma_wait3A_45] : memref<100000x128xf32, #tpu.memory_space<hbm>> -> memref<256x128xf32, #tpu.memory_space<hbm>>
    %dma_wait3A_47 = arith.constant 0 : i32
    %dma_wait3A_48 = arith.constant 0 : i32
    %dma_wait3A_49 = tpu.memref_slice %arg5[%dma_wait3A_47, %dma_wait3A_48] : memref<100000x128xf32, #tpu.memory_space<hbm>> -> memref<256x128xf32, #tpu.memory_space<hbm>>
    tpu.wait_dma2 semaphore(%arg15 : memref<!tpu.dma_semaphore, #tpu.memory_space<semaphore_mem>>) src(%arg9 : memref<256x128xf32, #tpu.memory_space<vmem>>) dst(%dma_wait3A_49 : memref<256x128xf32, #tpu.memory_space<hbm>>)
    %dma_wait3A_50 = arith.constant 0 : i32
    %dma_wait3A_51 = arith.constant 0 : i32
    %dma_wait3A_52 = tpu.memref_slice %arg5[%dma_wait3A_50, %dma_wait3A_51] : memref<100000x128xf32, #tpu.memory_space<hbm>> -> memref<256x128xf32, #tpu.memory_space<hbm>>
    %dma_wait3A_53 = arith.constant 0 : i32
    %dma_wait3A_54 = arith.constant 0 : i32
    %dma_wait3A_55 = tpu.memref_slice %arg5[%dma_wait3A_53, %dma_wait3A_54] : memref<100000x128xf32, #tpu.memory_space<hbm>> -> memref<256x128xf32, #tpu.memory_space<hbm>>
    tpu.wait_dma2 semaphore(%arg16 : memref<!tpu.dma_semaphore, #tpu.memory_space<semaphore_mem>>) src(%arg10 : memref<256x128xf32, #tpu.memory_space<vmem>>) dst(%dma_wait3A_55 : memref<256x128xf32, #tpu.memory_space<hbm>>)
    %lt3A_56 = arith.constant 20 : i32
    %lt3A_57 = arith.cmpi slt, %add3A, %lt3A_56 : i32
    %convert_element_type3A_58 = arith.extui %lt3A_57 : i1 to i32
    %cond3A_59 = arith.constant 0 : i32
    %cond3A_60 = arith.cmpi ne, %convert_element_type3A_58, %cond3A_59 : i32
    scf.if %cond3A_60 {
      %add3A_66 = arith.constant 3072 : i32
      %add3A_67 = arith.addi %add3A_6, %add3A_66 : i32
      %dma_wait3A_68 = arith.constant 0 : i32
      %dma_wait3A_69 = arith.constant 0 : i32
      %dma_wait3A_70 = tpu.memref_slice %arg8[%dma_wait3A_68, %dma_wait3A_69] : memref<256x128xf32, #tpu.memory_space<vmem>> -> memref<56x128xf32, #tpu.memory_space<vmem>>
      %dma_wait3A_71 = arith.constant 0 : i32
      %dma_wait3A_72 = arith.constant 0 : i32
      %dma_wait3A_73 = tpu.memref_slice %arg2[%dma_wait3A_71, %dma_wait3A_72] : memref<100000x128xf32, #tpu.memory_space<hbm>> -> memref<56x128xf32, #tpu.memory_space<hbm>>
      %dma_wait3A_74 = arith.constant 0 : i32
      %dma_wait3A_75 = arith.constant 0 : i32
      %dma_wait3A_76 = tpu.memref_slice %arg8[%dma_wait3A_74, %dma_wait3A_75] : memref<256x128xf32, #tpu.memory_space<vmem>> -> memref<56x128xf32, #tpu.memory_space<vmem>>
      %dma_wait3A_77 = arith.constant 0 : i32
      %dma_wait3A_78 = arith.constant 0 : i32
      %dma_wait3A_79 = tpu.memref_slice %arg2[%dma_wait3A_77, %dma_wait3A_78] : memref<100000x128xf32, #tpu.memory_space<hbm>> -> memref<56x128xf32, #tpu.memory_space<hbm>>
      tpu.wait_dma2 semaphore(%arg11 : memref<!tpu.dma_semaphore, #tpu.memory_space<semaphore_mem>>) src(%dma_wait3A_79 : memref<56x128xf32, #tpu.memory_space<hbm>>) dst(%dma_wait3A_76 : memref<56x128xf32, #tpu.memory_space<vmem>>)
      "tpu.region"() ({
        %run_scoped3A = tpu.sem_alloc : memref<!tpu.dma_semaphore, #tpu.memory_space<semaphore_mem>>
        %dma_start3A_80 = arith.constant 0 : i32
        %dma_start3A_81 = arith.constant 0 : i32
        %dma_start3A_82 = tpu.memref_slice %arg8[%dma_start3A_80, %dma_start3A_81] : memref<256x128xf32, #tpu.memory_space<vmem>> -> memref<56x128xf32, #tpu.memory_space<vmem>>
        %dma_start3A_83 = arith.constant 3072 : i32
        %dma_start3A_84 = tpu.memref_slice %arg7[%dma_start3A_83] : memref<3128xi32, #tpu.memory_space<vmem>> -> memref<56xi32, #tpu.memory_space<vmem>>
        %dma_start3A_85 = arith.constant 0 : i32
        %dma_start3A_86 = arith.constant 0 : i32
        %dma_start3A_87 = tpu.memref_slice %arg6[%dma_start3A_85, %dma_start3A_86] : memref<64x128xf32, #tpu.memory_space<vmem_shared>> -> memref<64x128xf32, #tpu.memory_space<vmem_shared>>
        tpu.enqueue_indirect_dma source(%dma_start3A_87 : memref<64x128xf32, #tpu.memory_space<vmem_shared>>) target(%dma_start3A_82 : memref<56x128xf32, #tpu.memory_space<vmem>>) offsets(%dma_start3A_84 : memref<56xi32, #tpu.memory_space<vmem>>) semaphore(%run_scoped3A : memref<!tpu.dma_semaphore, #tpu.memory_space<semaphore_mem>>) {add = true}
        %dma_wait3A_88 = arith.constant 0 : i32
        %dma_wait3A_89 = arith.constant 0 : i32
        %dma_wait3A_90 = tpu.memref_slice %arg8[%dma_wait3A_88, %dma_wait3A_89] : memref<256x128xf32, #tpu.memory_space<vmem>> -> memref<56x128xf32, #tpu.memory_space<vmem>>
        %dma_wait3A_91 = arith.constant 3072 : i32
        %dma_wait3A_92 = tpu.memref_slice %arg7[%dma_wait3A_91] : memref<3128xi32, #tpu.memory_space<vmem>> -> memref<56xi32, #tpu.memory_space<vmem>>
        %dma_wait3A_93 = arith.constant 0 : i32
        %dma_wait3A_94 = arith.constant 0 : i32
        %dma_wait3A_95 = tpu.memref_slice %arg6[%dma_wait3A_93, %dma_wait3A_94] : memref<64x128xf32, #tpu.memory_space<vmem_shared>> -> memref<64x128xf32, #tpu.memory_space<vmem_shared>>
        tpu.wait_indirect_dma semaphore(%run_scoped3A : memref<!tpu.dma_semaphore, #tpu.memory_space<semaphore_mem>>) src(%dma_wait3A_95 : memref<64x128xf32, #tpu.memory_space<vmem_shared>>) dst(%dma_wait3A_90 : memref<56x128xf32, #tpu.memory_space<vmem>>)
        tpu.yield
      }) : () -> ()
      "tpu.region"() ({
        %run_scoped3A = tpu.sem_alloc : memref<!tpu.dma_semaphore, #tpu.memory_space<semaphore_mem>>
        %dma_start3A_80 = arith.constant 0 : i32
        %dma_start3A_81 = arith.constant 0 : i32
        %dma_start3A_82 = tpu.memref_slice %arg8[%dma_start3A_80, %dma_start3A_81] : memref<256x128xf32, #tpu.memory_space<vmem>> -> memref<56x128xf32, #tpu.memory_space<vmem>>
        %dma_start3A_83 = arith.constant 0 : i32
        %dma_start3A_84 = tpu.memref_slice %arg5[%add3A_67, %dma_start3A_83] : memref<100000x128xf32, #tpu.memory_space<hbm>> -> memref<56x128xf32, #tpu.memory_space<hbm>>
        %dma_start3A_85 = arith.constant 0 : i32
        %dma_start3A_86 = tpu.memref_slice %arg5[%add3A_67, %dma_start3A_85] : memref<100000x128xf32, #tpu.memory_space<hbm>> -> memref<56x128xf32, #tpu.memory_space<hbm>>
        %dma_start3A_87 = arith.constant 0 : i32
        %dma_start3A_88 = arith.constant 0 : i32
        %dma_start3A_89 = tpu.memref_slice %arg8[%dma_start3A_87, %dma_start3A_88] : memref<256x128xf32, #tpu.memory_space<vmem>> -> memref<56x128xf32, #tpu.memory_space<vmem>>
        tpu.enqueue_dma source(%dma_start3A_89 : memref<56x128xf32, #tpu.memory_space<vmem>>) target(%dma_start3A_86 : memref<56x128xf32, #tpu.memory_space<hbm>>) target_semaphore(%run_scoped3A : memref<!tpu.dma_semaphore, #tpu.memory_space<semaphore_mem>>)
        %dma_wait3A_90 = arith.constant 0 : i32
        %dma_wait3A_91 = arith.constant 0 : i32
        %dma_wait3A_92 = tpu.memref_slice %arg8[%dma_wait3A_90, %dma_wait3A_91] : memref<256x128xf32, #tpu.memory_space<vmem>> -> memref<56x128xf32, #tpu.memory_space<vmem>>
        %dma_wait3A_93 = arith.constant 0 : i32
        %dma_wait3A_94 = tpu.memref_slice %arg5[%add3A_67, %dma_wait3A_93] : memref<100000x128xf32, #tpu.memory_space<hbm>> -> memref<56x128xf32, #tpu.memory_space<hbm>>
        %dma_wait3A_95 = arith.constant 0 : i32
        %dma_wait3A_96 = tpu.memref_slice %arg5[%add3A_67, %dma_wait3A_95] : memref<100000x128xf32, #tpu.memory_space<hbm>> -> memref<56x128xf32, #tpu.memory_space<hbm>>
        %dma_wait3A_97 = arith.constant 0 : i32
        %dma_wait3A_98 = arith.constant 0 : i32
        %dma_wait3A_99 = tpu.memref_slice %arg8[%dma_wait3A_97, %dma_wait3A_98] : memref<256x128xf32, #tpu.memory_space<vmem>> -> memref<56x128xf32, #tpu.memory_space<vmem>>
        tpu.wait_dma2 semaphore(%run_scoped3A : memref<!tpu.dma_semaphore, #tpu.memory_space<semaphore_mem>>) src(%dma_wait3A_99 : memref<56x128xf32, #tpu.memory_space<vmem>>) dst(%dma_wait3A_96 : memref<56x128xf32, #tpu.memory_space<hbm>>)
        tpu.yield
      }) : () -> ()
    } else {
    }
    %ge3A_61 = arith.constant 20 : i32
    %ge3A_62 = arith.cmpi sge, %add3A, %ge3A_61 : i32
    %convert_element_type3A_63 = arith.extui %ge3A_62 : i1 to i32
    %cond3A_64 = arith.constant 0 : i32
    %cond3A_65 = arith.cmpi ne, %convert_element_type3A_63, %cond3A_64 : i32
    scf.if %cond3A_65 {
      %add3A_66 = arith.constant 3072 : i32
      %add3A_67 = arith.addi %add3A_6, %add3A_66 : i32
      %dma_wait3A_68 = arith.constant 0 : i32
      %dma_wait3A_69 = arith.constant 0 : i32
      %dma_wait3A_70 = tpu.memref_slice %arg8[%dma_wait3A_68, %dma_wait3A_69] : memref<256x128xf32, #tpu.memory_space<vmem>> -> memref<48x128xf32, #tpu.memory_space<vmem>>
      %dma_wait3A_71 = arith.constant 0 : i32
      %dma_wait3A_72 = arith.constant 0 : i32
      %dma_wait3A_73 = tpu.memref_slice %arg2[%dma_wait3A_71, %dma_wait3A_72] : memref<100000x128xf32, #tpu.memory_space<hbm>> -> memref<48x128xf32, #tpu.memory_space<hbm>>
      %dma_wait3A_74 = arith.constant 0 : i32
      %dma_wait3A_75 = arith.constant 0 : i32
      %dma_wait3A_76 = tpu.memref_slice %arg8[%dma_wait3A_74, %dma_wait3A_75] : memref<256x128xf32, #tpu.memory_space<vmem>> -> memref<48x128xf32, #tpu.memory_space<vmem>>
      %dma_wait3A_77 = arith.constant 0 : i32
      %dma_wait3A_78 = arith.constant 0 : i32
      %dma_wait3A_79 = tpu.memref_slice %arg2[%dma_wait3A_77, %dma_wait3A_78] : memref<100000x128xf32, #tpu.memory_space<hbm>> -> memref<48x128xf32, #tpu.memory_space<hbm>>
      tpu.wait_dma2 semaphore(%arg11 : memref<!tpu.dma_semaphore, #tpu.memory_space<semaphore_mem>>) src(%dma_wait3A_79 : memref<48x128xf32, #tpu.memory_space<hbm>>) dst(%dma_wait3A_76 : memref<48x128xf32, #tpu.memory_space<vmem>>)
      "tpu.region"() ({
        %run_scoped3A = tpu.sem_alloc : memref<!tpu.dma_semaphore, #tpu.memory_space<semaphore_mem>>
        %dma_start3A_80 = arith.constant 0 : i32
        %dma_start3A_81 = arith.constant 0 : i32
        %dma_start3A_82 = tpu.memref_slice %arg8[%dma_start3A_80, %dma_start3A_81] : memref<256x128xf32, #tpu.memory_space<vmem>> -> memref<48x128xf32, #tpu.memory_space<vmem>>
        %dma_start3A_83 = arith.constant 3072 : i32
        %dma_start3A_84 = tpu.memref_slice %arg7[%dma_start3A_83] : memref<3128xi32, #tpu.memory_space<vmem>> -> memref<48xi32, #tpu.memory_space<vmem>>
        %dma_start3A_85 = arith.constant 0 : i32
        %dma_start3A_86 = arith.constant 0 : i32
        %dma_start3A_87 = tpu.memref_slice %arg6[%dma_start3A_85, %dma_start3A_86] : memref<64x128xf32, #tpu.memory_space<vmem_shared>> -> memref<64x128xf32, #tpu.memory_space<vmem_shared>>
        tpu.enqueue_indirect_dma source(%dma_start3A_87 : memref<64x128xf32, #tpu.memory_space<vmem_shared>>) target(%dma_start3A_82 : memref<48x128xf32, #tpu.memory_space<vmem>>) offsets(%dma_start3A_84 : memref<48xi32, #tpu.memory_space<vmem>>) semaphore(%run_scoped3A : memref<!tpu.dma_semaphore, #tpu.memory_space<semaphore_mem>>) {add = true}
        %dma_wait3A_88 = arith.constant 0 : i32
        %dma_wait3A_89 = arith.constant 0 : i32
        %dma_wait3A_90 = tpu.memref_slice %arg8[%dma_wait3A_88, %dma_wait3A_89] : memref<256x128xf32, #tpu.memory_space<vmem>> -> memref<48x128xf32, #tpu.memory_space<vmem>>
        %dma_wait3A_91 = arith.constant 3072 : i32
        %dma_wait3A_92 = tpu.memref_slice %arg7[%dma_wait3A_91] : memref<3128xi32, #tpu.memory_space<vmem>> -> memref<48xi32, #tpu.memory_space<vmem>>
        %dma_wait3A_93 = arith.constant 0 : i32
        %dma_wait3A_94 = arith.constant 0 : i32
        %dma_wait3A_95 = tpu.memref_slice %arg6[%dma_wait3A_93, %dma_wait3A_94] : memref<64x128xf32, #tpu.memory_space<vmem_shared>> -> memref<64x128xf32, #tpu.memory_space<vmem_shared>>
        tpu.wait_indirect_dma semaphore(%run_scoped3A : memref<!tpu.dma_semaphore, #tpu.memory_space<semaphore_mem>>) src(%dma_wait3A_95 : memref<64x128xf32, #tpu.memory_space<vmem_shared>>) dst(%dma_wait3A_90 : memref<48x128xf32, #tpu.memory_space<vmem>>)
        tpu.yield
      }) : () -> ()
      "tpu.region"() ({
        %run_scoped3A = tpu.sem_alloc : memref<!tpu.dma_semaphore, #tpu.memory_space<semaphore_mem>>
        %dma_start3A_80 = arith.constant 0 : i32
        %dma_start3A_81 = arith.constant 0 : i32
        %dma_start3A_82 = tpu.memref_slice %arg8[%dma_start3A_80, %dma_start3A_81] : memref<256x128xf32, #tpu.memory_space<vmem>> -> memref<48x128xf32, #tpu.memory_space<vmem>>
        %dma_start3A_83 = arith.constant 0 : i32
        %dma_start3A_84 = tpu.memref_slice %arg5[%add3A_67, %dma_start3A_83] : memref<100000x128xf32, #tpu.memory_space<hbm>> -> memref<48x128xf32, #tpu.memory_space<hbm>>
        %dma_start3A_85 = arith.constant 0 : i32
        %dma_start3A_86 = tpu.memref_slice %arg5[%add3A_67, %dma_start3A_85] : memref<100000x128xf32, #tpu.memory_space<hbm>> -> memref<48x128xf32, #tpu.memory_space<hbm>>
        %dma_start3A_87 = arith.constant 0 : i32
        %dma_start3A_88 = arith.constant 0 : i32
        %dma_start3A_89 = tpu.memref_slice %arg8[%dma_start3A_87, %dma_start3A_88] : memref<256x128xf32, #tpu.memory_space<vmem>> -> memref<48x128xf32, #tpu.memory_space<vmem>>
        tpu.enqueue_dma source(%dma_start3A_89 : memref<48x128xf32, #tpu.memory_space<vmem>>) target(%dma_start3A_86 : memref<48x128xf32, #tpu.memory_space<hbm>>) target_semaphore(%run_scoped3A : memref<!tpu.dma_semaphore, #tpu.memory_space<semaphore_mem>>)
        %dma_wait3A_90 = arith.constant 0 : i32
        %dma_wait3A_91 = arith.constant 0 : i32
        %dma_wait3A_92 = tpu.memref_slice %arg8[%dma_wait3A_90, %dma_wait3A_91] : memref<256x128xf32, #tpu.memory_space<vmem>> -> memref<48x128xf32, #tpu.memory_space<vmem>>
        %dma_wait3A_93 = arith.constant 0 : i32
        %dma_wait3A_94 = tpu.memref_slice %arg5[%add3A_67, %dma_wait3A_93] : memref<100000x128xf32, #tpu.memory_space<hbm>> -> memref<48x128xf32, #tpu.memory_space<hbm>>
        %dma_wait3A_95 = arith.constant 0 : i32
        %dma_wait3A_96 = tpu.memref_slice %arg5[%add3A_67, %dma_wait3A_95] : memref<100000x128xf32, #tpu.memory_space<hbm>> -> memref<48x128xf32, #tpu.memory_space<hbm>>
        %dma_wait3A_97 = arith.constant 0 : i32
        %dma_wait3A_98 = arith.constant 0 : i32
        %dma_wait3A_99 = tpu.memref_slice %arg8[%dma_wait3A_97, %dma_wait3A_98] : memref<256x128xf32, #tpu.memory_space<vmem>> -> memref<48x128xf32, #tpu.memory_space<vmem>>
        tpu.wait_dma2 semaphore(%run_scoped3A : memref<!tpu.dma_semaphore, #tpu.memory_space<semaphore_mem>>) src(%dma_wait3A_99 : memref<48x128xf32, #tpu.memory_space<vmem>>) dst(%dma_wait3A_96 : memref<48x128xf32, #tpu.memory_space<hbm>>)
        tpu.yield
      }) : () -> ()
    } else {
    }
    return
  }
}

</mosaic_0001>

<sc_bundles>
// kernel: _run.3.cloned.1.call-start
scs
__scs_entry_jumppad:
0x0: {  	(pc) =	sbr.rel $0x88, $3  }
0x1: {  	(tag) =	ssettag $0x0;
	lr =	simm.s32 $0x1  }
0x2: {  	[smem:$0x3F9E] =	sst lr;
	_ =	strace $0xD0000000  }
0x3: {  	_ = 	snop  }
0x4: {  	_ = 	snop  }
0x5: {  	_ = 	snop  }
0x6: {  	_ = 	snop  }
0x7: {  	_ = 	snop  }
__scs_overlays_trampoline_lowered:
0x8: {  	[smem:$0x3FAD] =	sst s0  }
0x9: {  	[smem:$0x3FAE] =	sst s1  }
0xa: {  	[smem:$0x3FAF] =	sst s2  }
0xb: {  	[smem:$0x3FB0] =	sst s3  }
0xc: {  	[smem:$0x3FB1] =	sst s4  }
0xd: {  	[smem:$0x3FB2] =	sst s5  }
0xe: {  	[smem:$0x3FB3] =	sst s6  }
0xf: {  	[smem:$0x3FB4] =	sst s7  }
0x10: {  	[smem:$0x3FB5] =	sst s8  }
0x11: {  	[smem:$0x3FB6] =	sst s9;
	s0 =	simm.s32 @!p0 $0x0  }
0x12: {  	s1 =	sld [smem:$0x3F9C];
	s0 =	simm.s32 @p0 $0x1  }
0x13: {  	[smem:$0x3FB7] =	sst s0;
	s0 =	simm.s32 @!p1 $0x0  }
0x14: {  	s2 =	sld [smem:$0x3F9B];
	s0 =	simm.s32 @p1 $0x1  }
0x15: {  	[smem:$0x3FB8] =	sst s0;
	s0 =	simm.s32 @!p2 $0x0  }
0x16: {  	s3 =	sld [smem:$0x3FDB];
	s0 =	simm.s32 @p2 $0x1  }
0x17: {  	s4 =	simm.s32 $0x1BF5;
	[smem:$0x3FBA] =	sst s0  }
0x18: {  	s0 =	sld [smem:$0x3F9D];
	_ =	swait.ge [sflag:s4], $0x0  }
0x19: {  	s7 =	sld [smem:$0x3F9E]  }
0x1a: {  	s8 =	sadd.s32 $0xFFFFE003, lr  }
0x1b: {  	s9 =	sadd.s32 $0xFFFFFEF7, lr;
	s5 =	simm.s32 $0xFFFFFFFF;
	p2 =	slt.u32 s8, $0xFFFFF086  }
0x1c: {  	p1 =	slt.u32 s9, $0xF7A;
	s5 =	simm.s32 @!p2 $0x0  }
0x1d: {  	s5 =	simm.s32 @p1 $0x1;
	p0 =	seq.s32 s7, s2  }
0x1e: {  	s7 =	smul.u32 @!p0 $0xF7A, s2;
	p2 =	seq.s32 @!p0 s5, $0x0  }
0x1f: {  	s9 =	smul.u32 $0xF7A, s1;
	s8 =	simm.s32 @!p0 $0x1BF5;
	p2 =	por !p2, p0  }
0x20: {  	[sflag:s8] =	ssyncset.s32 @!p0 $0xFFFFF086;
	s6 =	sadd.s32 @!p0 s3, s7;
	s7 =	simm.s32 @!p0 $0x108  }
0x21: {  	s3 =	sadd.s32 s3, s9;
	s6 =	sadd.s32 @!p0 $0x88, s6;
	s7 =	simm.s32 @p2 $0x1082  }
0x22: {  	[simem:s7], [sflag:s8] =	dma.local @!p0 [hbm:s6], $0xF7A  }
0x23: {  	s9 =	sor.u32 $0xD0000000, s2;
	s6 =	simm.s32 $0x108;
	_ =	swait.ge @!p0 [sflag:s8], $0x0  }
0x24: {  	s3 =	sadd.s32 $0x88, s3;
	s6 =	simm.s32 @!p1 $0x1082;
	[sflag:s4] =	ssyncset.s32 $0xFFFFF086  }
0x25: {  	[simem:s6], [sflag:s4] =	dma.local [hbm:s3], $0xF7A  }
0x26: {  	[smem:$0x3F9E] =	sst s1;
	(tag) =	ssettag s2;
	_ =	strace s9  }
0x27: {  	s1 =	sld [smem:$0x3FAE]  }
0x28: {  	s2 =	sld [smem:$0x3FAF]  }
0x29: {  	s4 =	sld [smem:$0x3FB1]  }
0x2a: {  	p0 =	seq.s32 s5, $0x0;
	s5 =	sld [smem:$0x3FB2]  }
0x2b: {  	s6 =	sld [smem:$0x3FB3]  }
0x2c: {  	s7 =	sld [smem:$0x3FB4]  }
0x2d: {  	s3 =	simm.s32 $0x108;
	s8 =	sld [smem:$0x3FB5]  }
0x2e: {  	s3 =	simm.s32 @!p0 $0x1082;
	s9 =	sld [smem:$0x3FB6]  }
0x2f: {  	lr =	sadd.s32 s0, s3;
	s0 =	sld [smem:$0x3FAD]  }
0x30: {  	s3 =	sld [smem:$0x3FB0]  }
0x31: {  	[smem:$0x3FB9] =	sst s10  }
0x32: {  	s10 =	sld [smem:$0x3FB7];
	_ =	sdelay $0x3  }
0x33: {  	p0 =	seq.s32 s10, $0x1;
	s10 =	sld [smem:$0x3FB9];
	_ =	sdelay $0x3  }
0x34: {  	[smem:$0x3FB9] =	sst s10  }
0x35: {  	s10 =	sld [smem:$0x3FB8];
	_ =	sdelay $0x3  }
0x36: {  	p1 =	seq.s32 s10, $0x1;
	s10 =	sld [smem:$0x3FB9];
	_ =	sdelay $0x3  }
0x37: {  	[smem:$0x3FB9] =	sst s10  }
0x38: {  	s10 =	sld [smem:$0x3FBA]  }
0x39: {  	_ = 	snop;
	(pc) =	sbr.ind lr, $3  }
0x3a: {  	_ = 	snop  }
0x3b: {  	_ = 	snop  }
0x3c: {  	p2 =	seq.s32 s10, $0x1;
	s10 =	sld [smem:$0x3FB9]  }
0x3d: {  	_ =	shalt  }
0x3e: {  	_ =	shalt  }
0x3f: {  	_ =	shalt  }
0x40: {  	_ =	shalt  }
0x41: {  	_ =	shalt  }
0x42: {  	_ =	shalt  }
0x43: {  	_ =	shalt  }
0x44: {  	_ =	shalt  }
0x45: {  	_ =	shalt  }
0x46: {  	_ =	shalt  }
0x47: {  	_ =	shalt  }
0x48: {  	_ =	shalt  }
0x49: {  	_ =	shalt  }
0x4a: {  	_ =	shalt  }
0x4b: {  	_ =	shalt  }
0x4c: {  	_ =	shalt  }
0x4d: {  	_ =	shalt  }
0x4e: {  	_ =	shalt  }
0x4f: {  	_ =	shalt  }
0x50: {  	_ =	shalt  }
0x51: {  	_ =	shalt  }
0x52: {  	_ =	shalt  }
0x53: {  	_ =	shalt  }
0x54: {  	_ =	shalt  }
0x55: {  	_ =	shalt  }
0x56: {  	_ =	shalt  }
0x57: {  	_ =	shalt  }
0x58: {  	_ =	shalt  }
0x59: {  	_ =	shalt  }
0x5a: {  	_ =	shalt  }
0x5b: {  	_ =	shalt  }
0x5c: {  	_ =	shalt  }
0x5d: {  	_ =	shalt  }
0x5e: {  	_ =	shalt  }
0x5f: {  	_ =	shalt  }
0x60: {  	_ =	shalt  }
0x61: {  	_ =	shalt  }
0x62: {  	_ =	shalt  }
0x63: {  	_ =	shalt  }
0x64: {  	_ =	shalt  }
0x65: {  	_ =	shalt  }
0x66: {  	_ =	shalt  }
0x67: {  	_ =	shalt  }
0x68: {  	_ =	shalt  }
0x69: {  	_ =	shalt  }
0x6a: {  	_ =	shalt  }
0x6b: {  	_ =	shalt  }
0x6c: {  	_ =	shalt  }
0x6d: {  	_ =	shalt  }
0x6e: {  	_ =	shalt  }
0x6f: {  	_ =	shalt  }
0x70: {  	_ =	shalt  }
0x71: {  	_ =	shalt  }
0x72: {  	_ =	shalt  }
0x73: {  	_ =	shalt  }
0x74: {  	_ =	shalt  }
0x75: {  	_ =	shalt  }
0x76: {  	_ =	shalt  }
0x77: {  	_ =	shalt  }
0x78: {  	_ =	shalt  }
0x79: {  	_ =	shalt  }
0x7a: {  	_ =	shalt  }
0x7b: {  	_ =	shalt  }
0x7c: {  	_ =	shalt  }
0x7d: {  	_ =	shalt  }
0x7e: {  	_ =	shalt  }
0x7f: {  	_ =	shalt  }
0x80: {  	_ =	shalt  }
0x81: {  	_ =	shalt  }
0x82: {  	_ =	shalt  }
0x83: {  	_ =	shalt  }
0x84: {  	_ =	shalt  }
0x85: {  	_ =	shalt  }
0x86: {  	_ =	shalt  }
0x87: {  	_ =	shalt  }
.Lfunc_end0:
.L_simem_size_0:
called_computation_lowered:
.L_overlay_start_0:
0x88: {  	s2 =	sld [smem:$0x3FD9]  }
0x89: {  	s3 =	sld [smem:$0x3FFE];
	_ =	sdelay $0x1  }
0x8a: {  	s1 =	srdreg.scid  }
0x8b: {  	s0 =	sand.u32 $0x1, s1  }
0x8c: {  	s18 =	sshll.u32 s0, $0xA;
	s2 =	sadd.s32 s3, s2  }
0x8d: {  	s2 =	sadd.s32 s2, s18  }
0x8e: {  	[smem:$0x3FC5] =	sst s2  }
0x8f: {  	_ = 	snop  }
0x90: {  	s2 =	sld [smem:$0x3FC9]  }
0x91: {  	s19 =	sld [smem:$0x3FC8]  }
0x92: {  	s4 =	sld [smem:$0x3FC7]  }
0x93: {  	s5 =	sld [smem:$0x3FD0];
	(tm) =	ssettm $0x1  }
0x94: {  	s6 =	sld [smem:$0x3FFB];
	_ =	sdelay $0x3  }
0x95: {  	_ =	strace s6  }
0x96: {  	s6 =	sld [smem:$0x3FFC];
	_ =	sdelay $0x3  }
0x97: {  	_ =	strace s6  }
0x98: {  	s6 =	sld [smem:$0x3FFD];
	_ =	sdelay $0x3  }
0x99: {  	_ =	strace s6  }
0x9a: {  	_ =	strace $0x8FFFFFFF  }
0x9b: {  	s20 =	sld [smem:$0x3FDB];
	_ =	sdelay $0x1  }
0x9c: {  	s7 =	simm.s32 $_scs_section_size  }
0x9d: {  	s8 =	simm.s32 $_size__tile_overlayer_lowered;
	s9 =	simm.s32 $_tile_overlayer_lowered  }
0x9e: {  	s23 =	simm.s32 $0x1BFF;
	s22 =	sshll.u32 s9, $0x1;
	s6 =	sadd.s32 s7, s20  }
0x9f: {  	s10 =	simm.s32 $0x0;
	s21 =	sshll.u32 s8, $0x1;
	s8 =	sadd.s32 s22, s6  }
0xa0: {  	[timem:s10], [sflag:s23] =	dma.local [hbm:s8], s21  }
0xa1: {  	_ =	swait.ge [sflag:s23], s21  }
0xa2: {  	s7 =	ssub.s32 $0x0, s21;
	[sflag:s23] =	ssyncset.done $0x0  }
0xa3: {  	[sflag:s23] =	ssyncadd.s32 s7;
	_ =	sdelay $0x1  }
0xa4: {  	s24 =	simm.s32 $0x1B8B  }
0xa5: {  	_ =	swait.ge [sflag:s24], $0x1  }
0xa6: {  	[sflag:s24] =	ssyncset.done $0x0  }
0xa7: {  	s25 =	simm.s32 $0x1B8E;
	[sflag:s24] =	ssyncadd.s32 $0xFFFFFFFF  }
0xa8: {  	s26 =	simm.s32 $execute0_lowered;
	[smem:$0x3FD2] =	sst s25  }
0xa9: {  	s7 =	sshll.u32 s26, $0x1;
	_ =	strace $0x80000046;
	[dreg:$0x1] =	wrdreg $0xFFFFFFFF  }
0xaa: {  	s28 =	simm.s32 $_size_execute0_lowered;
	s6 =	sadd.s32 s6, s7;
	[dreg:$0x0] =	wrdreg $0x0  }
0xab: {  	s7 =	sshll.u32 s28, $0x1;
	[dreg:$0x2] =	wrdreg s6  }
0xac: {  	[dreg:$0x3] =	wrdreg s7  }
0xad: {  	[dreg:$0x4] =	wrdreg $0xC0  }
0xae: {  	_ =	task [dreg:s10], $0x5FFFF  }
0xaf: {  	[dreg:$0x1] =	wrdreg $0xFFFFFFFF  }
0xb0: {  	[dreg:$0x0] =	wrdreg $0x60  }
0xb1: {  	[dreg:$0x2] =	wrdreg s2  }
0xb2: {  	[dreg:$0x3] =	wrdreg s19  }
0xb3: {  	[dreg:$0x4] =	wrdreg s4  }
0xb4: {  	[dreg:$0x5] =	wrdreg s5  }
0xb5: {  	[dreg:$0x6] =	wrdreg $0x0  }
0xb6: {  	[dreg:$0x7] =	wrdreg $0x9  }
0xb7: {  	_ =	task.clear_ibuf [dreg:s10], $0x8FFFF;
	_ =	strace $0x90000046  }
0xb8: {  	s29 =	simm.s32 $0x9;
	_ =	strace $0x80000048  }
0xb9: {  	_ =	swait.ge [sflag:s29], $0x1  }
0xba: {  	[sflag:s29] =	ssyncadd.s32 $0xFFFFFFFF  }
0xbb: {  	_ =	strace $0x90000048  }
0xbc: {  	_ =	sfence  }
0xbd: {  	s30 =	sld [smem:$0x0];
	_ =	sdelay $0x2  }
0xbe: {  	s31 =	sshll.u32 s1, $0xD;
	s1 =	sshrl.u32 s1, $0x2  }
0xbf: {  	s3 =	sand.u32 $0x4000, s31;
	s1 =	sadd.s32 s1, s30  }
0xc0: {  	s0 =	sor.u32 s3, s0;
	s1 =	sshll.u32 s1, $0x11  }
0xc1: {  	s0 =	sor.u32 s1, s0  }
0xc2: {  	s0 =	sadd.s32 $0x8F2B, s0  }
0xc3: {  	[sflag:s0] =	ssyncadd.remote.s32 $0x1  }
0xc4: {  	_ =	sfence.sel $0xFFFF  }
0xc5: {  	[dreg:$0x0] =	wrdreg $0xFFFFFFFF;
	(pc) =	sbr.abs _section_cstart, $3  }
0xc6: {  	[dreg:$0x1] =	wrdreg $0xFFFFFFFF  }
0xc7: {  	_ =	task.clear_ibuf [dreg:s10], $0x2FFFF;
	_ =	strace $0x9FFFFFFF  }
0xc8: {  	(tm) =	ssettm $0x7FFFFFFF  }
0xc9: {  	_ =	shalt  }
tec
execute0_lowered:
.L_overlay_start_1:
0x0: {  	(tag) =	ssettag $0x1  }
0x1: {  	s9 =	rddreg [dreg:$0x0]  }
0x2: {  	s4 =	rddreg [dreg:$0x1]  }
0x3: {  	s8 =	rddreg [dreg:$0x3]  }
0x4: {  	s2 =	rddreg [dreg:$0x4]  }
0x5: {  	s5 =	srdreg.scid;
	s25 =	stileid.u32;
	s3 =	simm.s32 $0x0  }
0x6: {  	s18 =	simm.s32 $0x4E80;
	s20 =	simm.s32 $0xCE80;
	s19 =	simm.s32 $0x2  }
0x7: {  	s21 =	simm.s32 $0x14E80;
	s22 =	simm.s32 $0x4;
	s23 =	simm.s32 $0x5  }
0x8: {  	s7 =	sand.u32 $0x1, s5;
	s24 =	sshll.u32 s25, $0x1;
	s29 =	smul.u32 $0x1860, s25  }
0x9: {  	[smem:$0x7FF] =	sst s3;
	s16 =	smul.u32 $0x18600, s25;
	p0 =	sne.s32 s25, $0x0  }
0xa: {  	p1 =	sgt.u32 s25, $0x9;
	s25 =	simm.s32 $0x0;
	s5 =	sor.u32 s7, s24  }
0xb: {  	s6 =	ssub.s32 $0x2, s7;
	_ =	strace $0x80000047;
	s14 =	smul.u32 $0xC30, s7  }
0xc: {  	s17 =	smul.u32 $0xC300, s7;
	[dreg:$0x6] =	wrdreg s18;
	s18 =	simm.s32 $0x10E80  }
0xd: {  	[dreg:$0x8] =	wrdreg s20;
	s20 =	simm.s32 $0x3;
	s24 =	simm.s32 $0x6  }
0xe: {  	s10 =	smul.u32 $0xC30, s5;
	s11 =	smin.u32 s5, $0x14;
	s26 =	sshrl.u32 s6, $0x1  }
0xf: {  	s12 =	sshll.u32 s11, $0x3;
	s13 =	ssub.s32 s6, s26;
	s11 =	sshll.u32 s11, $0x7  }
0x10: {  	s28 =	sadd.s32 s10, s12;
	s10 =	sadd.s32 s14, s29;
	s14 =	simm.s32 $0xE80  }
0x11: {  	s30 =	sshrl.u32 s28, $0x3;
	s5 =	sshll.u32 s28, $0x4;
	s10 =	sadd.s32 s12, s10  }
0x12: {  	s12 =	simm.s32 $0x7;
	s4 =	sadd.s32 s4, s30;
	s15 =	sadd.s32 $0xC000, s5  }
0x13: {  	s5 =	sadd.s32 s9, s5;
	s10 =	sshll.u32 s10, $0x4;
	s6 =	sadd.s32 s9, s15  }
0x14: {  	s7 =	sadd.s32 s8, s15;
	s8 =	sadd.s32 s16, s8;
	s9 =	sadd.s32 s10, s9  }
0x15: {  	s10 =	sshrl.u32 s2, $0x3;
	s15 =	simm.s32 $0x8E80;
	s31 =	sadd.s32 s17, s8  }
0x16: {  	s16 =	simm.s32 $0x1;
	s8 =	smax.u32 s13, $0x1;
	s11 =	sadd.s32 s11, s31  }
0x17: {  	s13 =	simm.s32 $0x200;
	s17 =	simm.s32 $0x80;
	[dreg:$0x7] =	wrdreg s11  }
.LBB2_1:
.Ltmp0:
0x18: {  	(pc) =	sbr.rel @!p0 .LBB2_2-.Ltmp0, $1  }
0x19: {  	_ =	sdelay $0x3  }
.Ltmp1:
0x1a: {  	(pc) =	sbr.rel @!p1 .LBB2_4-.Ltmp1, $2  }
0x1b: {  	_ =	sdelay $0x1  }
0x1c: {  	[bflag:$0x0] =	sbarrier.arrive $0xFFFF;
	_ =	sdelay $0x1  }
.Ltmp2:
0x1d: {  	(pc) =	sbr.rel .LBB2_6-.Ltmp2, $4  }
0x1e: {  	[tilespmem:s13], [sflag:$0x7] =	stream.linear.gather [hbm4b:s4+s3], $0xC30, $0x38;
	[tilespmem:$0x18E80] =	vst v63  }
0x1f: {  	_ =	swait.ge [sflag:s12], $0xC30  }
0x20: {  	[sflag:s12] =	ssyncset.done $0x0  }
0x21: {  	p3 =	por $0x0, $0x0;
	p2 =	por $0x1, $0x1;
	[sflag:s12] =	ssyncadd.s32 $0xFFFFF3D0  }
.LBB2_2:
0x22: {  	s0 =	rddreg [dreg:$0x2];
	s1 =	simm.s32 $0x1C07  }
0x23: {  	[spmem:s10], [sflag:s1] =	dma.local [hbm:s0], $0x400  }
0x24: {  	_ =	swait.ge [sflag:s12], $0x400  }
0x25: {  	[sflag:s12] =	ssyncset.done $0x0  }
0x26: {  	[sflag:s12] =	ssyncadd.s32 $0xFFFFFC00  }
0x27: {  	[bflag:$0x0] =	sbarrier.arrive $0xFFFF  }
.LBB2_4:
0x28: {  	[tilespmem:s13], [sflag:$0x7] =	stream.linear.gather [hbm4b:s4+s3], $0xC38, $0x38;
	[tilespmem:$0x18E80] =	vst v63  }
0x29: {  	_ =	swait.ge [sflag:s12], $0xC38  }
0x2a: {  	[sflag:s12] =	ssyncset.done $0x0  }
0x2b: {  	p3 =	por $0x1, $0x1;
	p2 =	por $0x0, $0x0;
	[sflag:s12] =	ssyncadd.s32 $0xFFFFF3C8  }
.LBB2_6:
0x2c: {  	s26 =	simm.s32 $0x0;
	p4 =	por $0x1, $0x1  }
0x2d: {  	[tilespmem:s14], [sflag:$0x1] =	stream.linear.gather [hbm4b:s5+s26], $0x8000, $0x38;
	[tilespmem:$0x18E80] =	vst v63  }
0x2e: {  	s26 =	simm.s32 @!p4 $0x5  }
0x2f: {  	_ =	swait.ge @!p4 [sflag:s26], $0x8000  }
0x30: {  	s28 =	sadd.s32 $0x0, s9;
	[sflag:s26] =	ssyncset.done @!p4 $0x0  }
0x31: {  	s29 =	sadd.s32 $0x1000, s28;
	[sflag:s26] =	ssyncadd.s32 @!p4 $0xFFFF8000  }
0x32: {  	[tilespmem:s15], [sflag:$0x2] =	stream.linear.gather [hbm4b:s29+s3], $0x8000, $0x38;
	[tilespmem:$0x18E80] =	vst v63  }
0x33: {  	_ =	swait.ge [sflag:s16], $0x8000  }
0x34: {  	[sflag:s16] =	ssyncset.done $0x0  }
0x35: {  	s1 =	simm.s32 $0x200;
	[sflag:s16] =	ssyncadd.s32 $0xFFFF8000  }
0x36: {  	[tilespmem:s14], [sflag:$0x7] =	stream.indirect.gather.add.f32 [spmem:s2], $0x80, s1, s17, $0xb8;
	[tilespmem:$0x18E80] =	vst v63  }
0x37: {  	_ =	swait.ge [sflag:s12], $0x4000  }
0x38: {  	[sflag:s12] =	ssyncset.done $0x0  }
0x39: {  	s29 =	simm.s32 $0x280;
	s11 =	rddreg [dreg:$0x6];
	[sflag:s12] =	ssyncadd.s32 $0xFFFFC000  }
0x3a: {  	[tilespmem:s11], [sflag:$0x7] =	stream.indirect.gather.add.f32 [spmem:s2], $0x80, s29, s17, $0xb8;
	[tilespmem:$0x18E80] =	vst v63  }
0x3b: {  	_ =	swait.ge [sflag:s12], $0x4000  }
0x3c: {  	s30 =	rddreg [dreg:$0x7];
	[sflag:s12] =	ssyncset.done $0x0  }
0x3d: {  	s29 =	simm.s32 @!p4 $0x6;
	[sflag:s12] =	ssyncadd.s32 $0xFFFFC000;
	s30 =	sadd.s32 $0x0, s30  }
0x3e: {  	[hbm4b:s30+s3] =	stream.linear.scatter [tilespmem:s14], [sflag:$0x4], $0x8000, $0x38;
	[tilespmem:$0x18E80] =	vst v63  }
0x3f: {  	_ =	swait.ge @!p4 [sflag:s29], $0x8000  }
0x40: {  	[sflag:s29] =	ssyncset.done @!p4 $0x0  }
0x41: {  	s0 =	sadd.s32 $0x2000, s28;
	[sflag:s29] =	ssyncadd.s32 @!p4 $0xFFFF8000  }
0x42: {  	[tilespmem:s18], [sflag:$0x3] =	stream.linear.gather [hbm4b:s0+s3], $0x8000, $0x38;
	[tilespmem:$0x18E80] =	vst v63  }
0x43: {  	_ =	swait.ge [sflag:s19], $0x8000  }
0x44: {  	[sflag:s19] =	ssyncset.done $0x0  }
0x45: {  	s1 =	simm.s32 $0x300;
	[sflag:s19] =	ssyncadd.s32 $0xFFFF8000  }
0x46: {  	[tilespmem:s15], [sflag:$0x7] =	stream.indirect.gather.add.f32 [spmem:s2], $0x80, s1, s17, $0xb8;
	[tilespmem:$0x18E80] =	vst v63  }
0x47: {  	_ =	swait.ge [sflag:s12], $0x4000  }
0x48: {  	[sflag:s12] =	ssyncset.done $0x0  }
0x49: {  	s28 =	simm.s32 $0x380;
	s11 =	rddreg [dreg:$0x8];
	[sflag:s12] =	ssyncadd.s32 $0xFFFFC000  }
0x4a: {  	[tilespmem:s11], [sflag:$0x7] =	stream.indirect.gather.add.f32 [spmem:s2], $0x80, s28, s17, $0xb8;
	[tilespmem:$0x18E80] =	vst v63  }
0x4b: {  	_ =	swait.ge [sflag:s12], $0x4000  }
0x4c: {  	p4 =	por $0x0, $0x0;
	[sflag:s12] =	ssyncset.done $0x0  }
0x4d: {  	s0 =	sadd.s32 $0x1000, s30;
	s28 =	simm.s32 @!p4 $0x4;
	[sflag:s12] =	ssyncadd.s32 $0xFFFFC000  }
0x4e: {  	[hbm4b:s0+s3] =	stream.linear.scatter [tilespmem:s15], [sflag:$0x5], $0x8000, $0x38;
	[tilespmem:$0x18E80] =	vst v63  }
0x4f: {  	_ =	swait.ge @!p4 [sflag:s28], $0x8000  }
0x50: {  	s26 =	sadd.s32 @!p4 $0x0, s9;
	s29 =	simm.s32 @!p4 $0x0;
	[sflag:s28] =	ssyncset.done @!p4 $0x0  }
0x51: {  	s31 =	simm.s32 @!p4 $0xE80;
	s26 =	sadd.s32 @!p4 $0x3000, s26;
	[sflag:s28] =	ssyncadd.s32 @!p4 $0xFFFF8000  }
0x52: {  	[tilespmem:s31], [sflag:$0x1] =	stream.linear.gather @!p4 [hbm4b:s26+s29], $0x8000, $0x38;
	[tilespmem:$0x18E80] =	vst v63  }
0x53: {  	_ =	swait.ge [sflag:s20], $0x8000  }
0x54: {  	[sflag:s20] =	ssyncset.done $0x0  }
0x55: {  	s1 =	simm.s32 $0x400;
	[sflag:s20] =	ssyncadd.s32 $0xFFFF8000  }
0x56: {  	[tilespmem:s18], [sflag:$0x7] =	stream.indirect.gather.add.f32 [spmem:s2], $0x80, s1, s17, $0xb8;
	[tilespmem:$0x18E80] =	vst v63  }
0x57: {  	_ =	swait.ge [sflag:s12], $0x4000  }
0x58: {  	p5 =	por $0x0, $0x0;
	s11 =	simm.s32 $0x480;
	[sflag:s12] =	ssyncset.done $0x0  }
0x59: {  	s28 =	simm.s32 $0x3000;
	s29 =	simm.s32 $0x6000;
	[sflag:s12] =	ssyncadd.s32 $0xFFFFC000  }
0x5a: {  	[tilespmem:s21], [sflag:$0x7] =	stream.indirect.gather.add.f32 [spmem:s2], $0x80, s11, s17, $0xb8;
	[tilespmem:$0x18E80] =	vst v63  }
0x5b: {  	s26 =	simm.s32 $0x500;
	s31 =	sadd.s32 $0x2000, s30;
	_ =	swait.ge [sflag:s12], $0x4000  }
.LBB2_7:
0x5c: {  	[sflag:s12] =	ssyncset.done $0x0  }
0x5d: {  	s0 =	simm.s32 @!p5 $0x5;
	[sflag:s12] =	ssyncadd.s32 $0xFFFFC000  }
0x5e: {  	[hbm4b:s31+s3] =	stream.linear.scatter [tilespmem:s18], [sflag:$0x6], $0x8000, $0x38;
	[tilespmem:$0x18E80] =	vst v63  }
0x5f: {  	_ =	swait.ge @!p5 [sflag:s0], $0x8000  }
0x60: {  	s1 =	sadd.s32 s28, s9;
	[sflag:s0] =	ssyncset.done @!p5 $0x0  }
0x61: {  	s31 =	sadd.s32 $0x1000, s1;
	[sflag:s0] =	ssyncadd.s32 @!p5 $0xFFFF8000  }
0x62: {  	[tilespmem:s15], [sflag:$0x2] =	stream.linear.gather [hbm4b:s31+s3], $0x8000, $0x38;
	[tilespmem:$0x18E80] =	vst v63  }
0x63: {  	_ =	swait.ge [sflag:s16], $0x8000  }
0x64: {  	[sflag:s16] =	ssyncset.done $0x0  }
0x65: {  	[sflag:s16] =	ssyncadd.s32 $0xFFFF8000  }
0x66: {  	[tilespmem:s14], [sflag:$0x7] =	stream.indirect.gather.add.f32 [spmem:s2], $0x80, s26, s17, $0xb8;
	[tilespmem:$0x18E80] =	vst v63  }
0x67: {  	_ =	swait.ge [sflag:s12], $0x4000  }
0x68: {  	[sflag:s12] =	ssyncset.done $0x0  }
0x69: {  	s31 =	sadd.s32 $0x80, s26;
	s11 =	rddreg [dreg:$0x6];
	[sflag:s12] =	ssyncadd.s32 $0xFFFFC000  }
0x6a: {  	[tilespmem:s11], [sflag:$0x7] =	stream.indirect.gather.add.f32 [spmem:s2], $0x80, s31, s17, $0xb8;
	[tilespmem:$0x18E80] =	vst v63  }
0x6b: {  	_ =	swait.ge [sflag:s12], $0x4000  }
0x6c: {  	s0 =	rddreg [dreg:$0x7];
	[sflag:s12] =	ssyncset.done $0x0  }
0x6d: {  	s11 =	simm.s32 @!p5 $0x6;
	[sflag:s12] =	ssyncadd.s32 $0xFFFFC000;
	s31 =	sadd.s32 s28, s0  }
0x6e: {  	[hbm4b:s31+s3] =	stream.linear.scatter [tilespmem:s14], [sflag:$0x4], $0x8000, $0x38;
	[tilespmem:$0x18E80] =	vst v63  }
0x6f: {  	_ =	swait.ge @!p5 [sflag:s11], $0x8000  }
0x70: {  	[sflag:s11] =	ssyncset.done @!p5 $0x0  }
0x71: {  	s1 =	sadd.s32 $0x2000, s1;
	[sflag:s11] =	ssyncadd.s32 @!p5 $0xFFFF8000  }
0x72: {  	[tilespmem:s18], [sflag:$0x3] =	stream.linear.gather [hbm4b:s1+s3], $0x8000, $0x38;
	[tilespmem:$0x18E80] =	vst v63  }
0x73: {  	_ =	swait.ge [sflag:s19], $0x8000  }
0x74: {  	[sflag:s19] =	ssyncset.done $0x0  }
0x75: {  	s11 =	sadd.s32 $0x100, s26;
	[sflag:s19] =	ssyncadd.s32 $0xFFFF8000  }
0x76: {  	[tilespmem:s15], [sflag:$0x7] =	stream.indirect.gather.add.f32 [spmem:s2], $0x80, s11, s17, $0xb8;
	[tilespmem:$0x18E80] =	vst v63  }
0x77: {  	_ =	swait.ge [sflag:s12], $0x4000  }
0x78: {  	[sflag:s12] =	ssyncset.done $0x0  }
0x79: {  	s11 =	sadd.s32 $0x180, s26;
	s1 =	rddreg [dreg:$0x8];
	[sflag:s12] =	ssyncadd.s32 $0xFFFFC000  }
0x7a: {  	[tilespmem:s1], [sflag:$0x7] =	stream.indirect.gather.add.f32 [spmem:s2], $0x80, s11, s17, $0xb8;
	[tilespmem:$0x18E80] =	vst v63  }
0x7b: {  	_ =	swait.ge [sflag:s12], $0x4000  }
0x7c: {  	p5 =	seq.s32 s28, $0x9000;
	[sflag:s12] =	ssyncset.done $0x0  }
0x7d: {  	s0 =	sadd.s32 $0x1000, s31;
	s1 =	simm.s32 @!p5 $0x4;
	[sflag:s12] =	ssyncadd.s32 $0xFFFFC000  }
0x7e: {  	[hbm4b:s0+s3] =	stream.linear.scatter [tilespmem:s15], [sflag:$0x5], $0x8000, $0x38;
	[tilespmem:$0x18E80] =	vst v63  }
0x7f: {  	s30 =	smov.u32 s29;
	s11 =	sadd.s32 @!p5 s28, s9;
	_ =	swait.ge @!p5 [sflag:s1], $0x8000  }
0x80: {  	s28 =	smov.u32 s30;
	s30 =	simm.s32 @!p5 $0xE80;
	[sflag:s1] =	ssyncset.done @!p5 $0x0  }
0x81: {  	s0 =	sadd.s32 @!p5 $0x3000, s11;
	s11 =	simm.s32 @!p5 $0x0;
	[sflag:s1] =	ssyncadd.s32 @!p5 $0xFFFF8000  }
0x82: {  	[tilespmem:s30], [sflag:$0x1] =	stream.linear.gather @!p5 [hbm4b:s0+s11], $0x8000, $0x38;
	[tilespmem:$0x18E80] =	vst v63  }
0x83: {  	_ =	swait.ge [sflag:s20], $0x8000  }
0x84: {  	s29 =	sadd.s32 $0x3000, s29;
	[sflag:s20] =	ssyncset.done $0x0  }
0x85: {  	p4 =	sne.s32 s29, $0xC000;
	s11 =	sadd.s32 $0x200, s26;
	[sflag:s20] =	ssyncadd.s32 $0xFFFF8000  }
0x86: {  	[tilespmem:s18], [sflag:$0x7] =	stream.indirect.gather.add.f32 [spmem:s2], $0x80, s11, s17, $0xb8;
	[tilespmem:$0x18E80] =	vst v63  }
.Ltmp3:
0x87: {  	_ =	swait.ge [sflag:s12], $0x4000;
	(pc) =	sbr.rel @p4 .LBB2_7-.Ltmp3, $4  }
0x88: {  	[sflag:s12] =	ssyncset.done $0x0  }
0x89: {  	s31 =	sadd.s32 $0x2000, s31;
	s30 =	sadd.s32 $0x280, s26;
	[sflag:s12] =	ssyncadd.s32 $0xFFFFC000  }
0x8a: {  	[tilespmem:s21], [sflag:$0x7] =	stream.indirect.gather.add.f32 [spmem:s2], $0x80, s30, s17, $0xb8;
	[tilespmem:$0x18E80] =	vst v63  }
0x8b: {  	s26 =	sadd.s32 $0x300, s26;
	p5 =	seq.s32 s28, $0x0;
	_ =	swait.ge [sflag:s12], $0x4000  }
0x8c: {  	[sflag:s12] =	ssyncset.done $0x0  }
0x8d: {  	s0 =	simm.s32 @!p5 $0x5;
	[sflag:s12] =	ssyncadd.s32 $0xFFFFC000  }
0x8e: {  	[hbm4b:s31+s3] =	stream.linear.scatter [tilespmem:s18], [sflag:$0x6], $0x8000, $0x38;
	[tilespmem:$0x18E80] =	vst v63  }
0x8f: {  	_ =	swait.ge @!p5 [sflag:s0], $0x8000  }
0x90: {  	s1 =	sadd.s32 s28, s9;
	[sflag:s0] =	ssyncset.done @!p5 $0x0  }
0x91: {  	s11 =	sadd.s32 $0x1000, s1;
	[sflag:s0] =	ssyncadd.s32 @!p5 $0xFFFF8000  }
0x92: {  	[tilespmem:s15], [sflag:$0x2] =	stream.linear.gather [hbm4b:s11+s3], $0x8000, $0x38;
	[tilespmem:$0x18E80] =	vst v63  }
0x93: {  	_ =	swait.ge [sflag:s16], $0x8000  }
0x94: {  	[sflag:s16] =	ssyncset.done $0x0  }
0x95: {  	[sflag:s16] =	ssyncadd.s32 $0xFFFF8000  }
0x96: {  	[tilespmem:s14], [sflag:$0x7] =	stream.indirect.gather.add.f32 [spmem:s2], $0x80, s26, s17, $0xb8;
	[tilespmem:$0x18E80] =	vst v63  }
0x97: {  	_ =	swait.ge [sflag:s12], $0x4000  }
0x98: {  	[sflag:s12] =	ssyncset.done $0x0  }
0x99: {  	s30 =	sadd.s32 $0x80, s26;
	s29 =	rddreg [dreg:$0x6];
	[sflag:s12] =	ssyncadd.s32 $0xFFFFC000  }
0x9a: {  	[tilespmem:s29], [sflag:$0x7] =	stream.indirect.gather.add.f32 [spmem:s2], $0x80, s30, s17, $0xb8;
	[tilespmem:$0x18E80] =	vst v63  }
0x9b: {  	_ =	swait.ge [sflag:s12], $0x4000  }
0x9c: {  	s31 =	rddreg [dreg:$0x7];
	[sflag:s12] =	ssyncset.done $0x0  }
0x9d: {  	s11 =	simm.s32 @!p5 $0x6;
	[sflag:s12] =	ssyncadd.s32 $0xFFFFC000;
	s0 =	sadd.s32 s28, s31  }
0x9e: {  	[hbm4b:s0+s3] =	stream.linear.scatter [tilespmem:s14], [sflag:$0x4], $0x8000, $0x38;
	[tilespmem:$0x18E80] =	vst v63  }
0x9f: {  	_ =	swait.ge @!p5 [sflag:s11], $0x8000  }
0xa0: {  	[sflag:s11] =	ssyncset.done @!p5 $0x0  }
0xa1: {  	s1 =	sadd.s32 $0x2000, s1;
	[sflag:s11] =	ssyncadd.s32 @!p5 $0xFFFF8000  }
0xa2: {  	[tilespmem:s18], [sflag:$0x3] =	stream.linear.gather [hbm4b:s1+s3], $0x8000, $0x38;
	[tilespmem:$0x18E80] =	vst v63  }
0xa3: {  	_ =	swait.ge [sflag:s19], $0x8000  }
0xa4: {  	[sflag:s19] =	ssyncset.done $0x0  }
0xa5: {  	s29 =	sadd.s32 $0x100, s26;
	[sflag:s19] =	ssyncadd.s32 $0xFFFF8000  }
0xa6: {  	[tilespmem:s15], [sflag:$0x7] =	stream.indirect.gather.add.f32 [spmem:s2], $0x80, s29, s17, $0xb8;
	[tilespmem:$0x18E80] =	vst v63  }
0xa7: {  	_ =	swait.ge [sflag:s12], $0x4000  }
0xa8: {  	[sflag:s12] =	ssyncset.done $0x0  }
0xa9: {  	s31 =	sadd.s32 $0x180, s26;
	s30 =	rddreg [dreg:$0x8];
	[sflag:s12] =	ssyncadd.s32 $0xFFFFC000  }
0xaa: {  	[tilespmem:s30], [sflag:$0x7] =	stream.indirect.gather.add.f32 [spmem:s2], $0x80, s31, s17, $0xb8;
	[tilespmem:$0x18E80] =	vst v63  }
0xab: {  	_ =	swait.ge [sflag:s12], $0x4000  }
0xac: {  	p4 =	seq.s32 s28, $0x9000;
	[sflag:s12] =	ssyncset.done $0x0  }
0xad: {  	s11 =	simm.s32 @!p4 $0x4;
	s29 =	sadd.s32 $0x1000, s0;
	[sflag:s12] =	ssyncadd.s32 $0xFFFFC000  }
0xae: {  	[hbm4b:s29+s3] =	stream.linear.scatter [tilespmem:s15], [sflag:$0x5], $0x8000, $0x38;
	[tilespmem:$0x18E80] =	vst v63  }
0xaf: {  	_ =	swait.ge @!p4 [sflag:s11], $0x8000  }
0xb0: {  	s1 =	sadd.s32 @!p4 s28, s9;
	s28 =	simm.s32 @!p4 $0x0;
	[sflag:s11] =	ssyncset.done @!p4 $0x0  }
0xb1: {  	s1 =	sadd.s32 @!p4 $0x3000, s1;
	s29 =	simm.s32 @!p4 $0xE80;
	[sflag:s11] =	ssyncadd.s32 @!p4 $0xFFFF8000  }
0xb2: {  	[tilespmem:s29], [sflag:$0x1] =	stream.linear.gather @!p4 [hbm4b:s1+s28], $0x8000, $0x38;
	[tilespmem:$0x18E80] =	vst v63  }
0xb3: {  	_ =	swait.ge [sflag:s20], $0x8000  }
0xb4: {  	[sflag:s20] =	ssyncset.done $0x0  }
0xb5: {  	s30 =	sadd.s32 $0x200, s26;
	[sflag:s20] =	ssyncadd.s32 $0xFFFF8000  }
0xb6: {  	[tilespmem:s18], [sflag:$0x7] =	stream.indirect.gather.add.f32 [spmem:s2], $0x80, s30, s17, $0xb8;
	[tilespmem:$0x18E80] =	vst v63  }
0xb7: {  	_ =	swait.ge [sflag:s12], $0x4000  }
0xb8: {  	[sflag:s12] =	ssyncset.done $0x0  }
0xb9: {  	s31 =	sadd.s32 $0x280, s26;
	[sflag:s12] =	ssyncadd.s32 $0xFFFFC000  }
0xba: {  	[tilespmem:s21], [sflag:$0x7] =	stream.indirect.gather.add.f32 [spmem:s2], $0x80, s31, s17, $0xb8;
	[tilespmem:$0x18E80] =	vst v63  }
0xbb: {  	_ =	swait.ge [sflag:s12], $0x4000  }
0xbc: {  	[sflag:s12] =	ssyncset.done $0x0  }
0xbd: {  	s0 =	sadd.s32 $0x2000, s0;
	[sflag:s12] =	ssyncadd.s32 $0xFFFFC000  }
0xbe: {  	[hbm4b:s0+s3] =	stream.linear.scatter [tilespmem:s18], [sflag:$0x6], $0x8000, $0x38;
	[tilespmem:$0x18E80] =	vst v63  }
0xbf: {  	_ =	swait.ge [sflag:s22], $0x8000  }
0xc0: {  	[sflag:s22] =	ssyncset.done $0x0  }
0xc1: {  	s1 =	simm.s32 @p3 $0xE80;
	s0 =	simm.s32 @p3 $0x0;
	[sflag:s22] =	ssyncadd.s32 $0xFFFF8000  }
0xc2: {  	[tilespmem:s1], [sflag:$0x1] =	stream.linear.gather @p3 [hbm4b:s6+s0], $0x1C00, $0x38;
	[tilespmem:$0x18E80] =	vst v63  }
0xc3: {  	s26 =	simm.s32 @p2 $0xE80;
	s11 =	simm.s32 @p2 $0x0  }
0xc4: {  	[tilespmem:s26], [sflag:$0x1] =	stream.linear.gather @p2 [hbm4b:s6+s11], $0x1800, $0x38;
	[tilespmem:$0x18E80] =	vst v63  }
0xc5: {  	_ =	swait.ge [sflag:s23], $0x8000  }
0xc6: {  	[sflag:s23] =	ssyncset.done $0x0  }
0xc7: {  	[sflag:s23] =	ssyncadd.s32 $0xFFFF8000  }
0xc8: {  	_ =	swait.ge [sflag:s24], $0x8000  }
0xc9: {  	[sflag:s24] =	ssyncset.done $0x0  }
0xca: {  	s28 =	simm.s32 @p3 $0x1;
	[sflag:s24] =	ssyncadd.s32 $0xFFFF8000  }
0xcb: {  	_ =	swait.ge @p3 [sflag:s28], $0x1C00  }
0xcc: {  	[sflag:s28] =	ssyncset.done @p3 $0x0  }
0xcd: {  	s29 =	simm.s32 @p3 $0xE00;
	[sflag:s28] =	ssyncadd.s32 @p3 $0xFFFFE400;
	s28 =	simm.s32 @p3 $0x38  }
0xce: {  	[tilespmem:s1], [sflag:$0x7] =	stream.indirect.gather.add.f32 @p3 [spmem:s2], $0x80, s29, s28, $0xb8;
	[tilespmem:$0x18E80] =	vst v63  }
0xcf: {  	s28 =	simm.s32 @p3 $0x7  }
0xd0: {  	_ =	swait.ge @p3 [sflag:s28], $0x1C00  }
0xd1: {  	[sflag:s28] =	ssyncset.done @p3 $0x0  }
0xd2: {  	[sflag:s28] =	ssyncadd.s32 @p3 $0xFFFFE400  }
0xd3: {  	[hbm4b:s7+s0] =	stream.linear.scatter @p3 [tilespmem:s1], [sflag:$0x7], $0x1C00, $0x38;
	[tilespmem:$0x18E80] =	vst v63  }
0xd4: {  	_ =	swait.ge @p3 [sflag:s28], $0x1C00  }
0xd5: {  	[sflag:s28] =	ssyncset.done @p3 $0x0  }
0xd6: {  	s0 =	simm.s32 @p2 $0x1;
	[sflag:s28] =	ssyncadd.s32 @p3 $0xFFFFE400  }
0xd7: {  	_ =	swait.ge @p2 [sflag:s0], $0x1800  }
0xd8: {  	[sflag:s0] =	ssyncset.done @p2 $0x0  }
0xd9: {  	s1 =	simm.s32 @p2 $0xE00;
	[sflag:s0] =	ssyncadd.s32 @p2 $0xFFFFE800;
	s0 =	simm.s32 @p2 $0x30  }
0xda: {  	[tilespmem:s26], [sflag:$0x7] =	stream.indirect.gather.add.f32 @p2 [spmem:s2], $0x80, s1, s0, $0xb8;
	[tilespmem:$0x18E80] =	vst v63  }
0xdb: {  	s0 =	simm.s32 @p2 $0x7  }
0xdc: {  	s25 =	sadd.s32 $0x1, s25;
	_ =	swait.ge @p2 [sflag:s0], $0x1800  }
0xdd: {  	p3 =	sne.s32 s25, s8;
	[sflag:s0] =	ssyncset.done @p2 $0x0  }
.Ltmp4:
0xde: {  	[sflag:s0] =	ssyncadd.s32 @p2 $0xFFFFE800;
	(pc) =	sbr.rel @p3 .LBB2_1-.Ltmp4, $4  }
0xdf: {  	[hbm4b:s7+s11] =	stream.linear.scatter @p2 [tilespmem:s26], [sflag:$0x7], $0x1800, $0x38;
	[tilespmem:$0x18E80] =	vst v63  }
0xe0: {  	_ =	swait.ge @p2 [sflag:s0], $0x1800  }
0xe1: {  	[sflag:s0] =	ssyncset.done @p2 $0x0  }
0xe2: {  	[sflag:s0] =	ssyncadd.s32 @p2 $0xFFFFE800  }
0xe3: {  	_ =	sfence.sel $0x180000  }
0xe4: {  	[bflag:$0x0] =	sbarrier.arrive $0xFFFF  }
0xe5: {  	_ =	strace $0x90000047  }
0xe6: {  	[bflag:$0x2] =	sbarrier.arrive $0xFFFF  }
0xe7: {  	s0 =	rddreg [dreg:$0x5]  }
0xe8: {  	s0 =	sadd.s32 @!p0 $0x100000, s0  }
0xe9: {  	[sflag:s0] =	ssyncadd.tile.s32 @!p0 $0x1;
	_ =	shalt  }
.Lfunc_end2:
_tile_overlayer_lowered:
.L_overlay_start_2:
0xea: {  	(tag) =	ssettag $0x2  }
0xeb: {  	s0 =	rddreg [dreg:$0x0];
	s2 =	stileid.u32  }
0xec: {  	s1 =	rddreg [dreg:$0x1];
	p0 =	sne.s32 s2, $0x0  }
0xed: {  	s3 =	rddreg [dreg:$0x2];
	[bflag:$0x3] =	sbarrier.arrive $0xFFFF;
	s2 =	simm.s32 @!p0 $0x1C07  }
0xee: {  	[timem:s3], [sflag:s2] =	dma.local @!p0 [hbm:s0], s1  }
0xef: {  	s0 =	simm.s32 @!p0 $0x7  }
0xf0: {  	_ =	swait.ge @!p0 [sflag:s0], s1  }
0xf1: {  	s1 =	ssub.s32 @!p0 $0x0, s1;
	[sflag:s0] =	ssyncset.done @!p0 $0x0  }
0xf2: {  	[sflag:s0] =	ssyncadd.s32 @!p0 s1  }
0xf3: {  	[bflag:$0x3] =	sbarrier.arrive $0xFFFF  }
0xf4: {  	_ =	shalt  }

</sc_bundles>
